<compile_context>
chip_gen: v7x
topology: tpu7x:2x2x1
jax: 0.10.2.dev20260603
libtpu: 0.0.44.dev20260713+nightly
codegen_flags: <defaults>
</compile_context>

<pallas_src>
import functools
import math

import jax
from jax import lax
import jax.numpy as jnp
from jax.experimental import pallas as pl
from jax.experimental.pallas import tpu as pltpu
from jax.experimental.pallas import tpu_sc as plsc

_IMG = 800.0
_N = 20000
_NPAD = 20480
_ROWS = _NPAD // 128
_K = 2000
_KPAD = 2048
_OUT = 1000
_THRESH = 0.7
_MIN_SIZE = 0.001
_LOG_MAX = math.log(1000.0 / 16)
_IMIN = -(2 ** 31)
_NWORK = 32
_RPW = _ROWS // _NWORK


def _sortkey(x):
    b = lax.bitcast_convert_type(x, jnp.int32)
    return jnp.where(b >= 0, b, jnp.bitwise_xor(~b, jnp.int32(_IMIN)))


def _prep_body(ax0, ay0, ax1, ay1, rdx, rdy, rdw, rdh, sc,
               bx0, by0, bx1, by1, ms, pos):
    width = ax1[...] - ax0[...]
    height = ay1[...] - ay0[...]
    cx = ax0[...] + width / 2
    cy = ay0[...] + height / 2
    dw = jnp.minimum(rdw[...], _LOG_MAX)
    dh = jnp.minimum(rdh[...], _LOG_MAX)
    px = cx + rdx[...] * width
    py = cy + rdy[...] * height
    pw = jnp.exp(dw) * width
    ph = jnp.exp(dh) * height
    x0 = jnp.clip(px - 0.5 * pw, 0.0, _IMG)
    y0 = jnp.clip(py - 0.5 * ph, 0.0, _IMG)
    x1 = jnp.clip(px + 0.5 * pw, 0.0, _IMG)
    y1 = jnp.clip(py + 0.5 * ph, 0.0, _IMG)
    valid = ((x1 - x0) >= _MIN_SIZE) & ((y1 - y0) >= _MIN_SIZE)
    s = jnp.where(valid, sc[...], -jnp.inf)
    bx0[...] = x0
    by0[...] = y0
    bx1[...] = x1
    by1[...] = y1
    ms[...] = s

    keys = _sortkey(s)

    def count_ge(t):
        return jnp.sum((keys >= t).astype(jnp.float32))

    p0 = jnp.where(count_ge(0) >= _K, jnp.int32(0), jnp.int32(_IMIN))

    def bit_body(b, p):
        cand = p | jnp.left_shift(jnp.int32(1), 30 - b)
        return jnp.where(count_ge(cand) >= _K, cand, p)

    thr = lax.fori_loop(0, 31, bit_body, p0)

    gt = (keys > thr).astype(jnp.float32)
    eq = (keys == thr).astype(jnp.float32)
    ci = lax.broadcasted_iota(jnp.int32, (128, 128), 0)
    cj = lax.broadcasted_iota(jnp.int32, (128, 128), 1)
    lt128 = (ci < cj).astype(jnp.float32)
    ri = lax.broadcasted_iota(jnp.int32, (_ROWS, _ROWS), 0)
    rj = lax.broadcasted_iota(jnp.int32, (_ROWS, _ROWS), 1)
    sl160 = (rj < ri).astype(jnp.float32)

    def excl_prefix(m):
        lane = jnp.dot(m, lt128, preferred_element_type=jnp.float32)
        rows = jnp.sum(m, axis=1, keepdims=True)
        off = jnp.dot(sl160, rows, preferred_element_type=jnp.float32)
        return off + lane

    pos_gt = excl_prefix(gt)
    pos_eq = excl_prefix(eq)
    g_total = jnp.sum(gt)
    take_eq = (eq > 0) & (g_total + pos_eq < _K)
    flat = (lax.broadcasted_iota(jnp.int32, (_ROWS, 128), 0) * 128
            + lax.broadcasted_iota(jnp.int32, (_ROWS, 128), 1))
    trash = (_KPAD + flat).astype(jnp.float32)
    p_f = jnp.where(gt > 0, pos_gt,
                    jnp.where(take_eq, g_total + pos_eq, trash))
    pos[...] = p_f.astype(jnp.int32)


def _prep(cols):
    shp = jax.ShapeDtypeStruct((_ROWS, 128), jnp.float32)
    return pl.pallas_call(
        _prep_body,
        out_shape=[shp] * 5 + [jax.ShapeDtypeStruct((_ROWS, 128), jnp.int32)],
    )(*cols)


_sc_mesh = plsc.VectorSubcoreMesh(core_axis_name="c", subcore_axis_name="s")


@functools.partial(
    pl.kernel,
    mesh=_sc_mesh,
    out_type=jax.ShapeDtypeStruct((_KPAD + _NPAD, 8), jnp.float32),
    scratch_types=[
        pltpu.VMEM((16, 128), jnp.int32),
        pltpu.VMEM((_RPW * 128, 8), jnp.float32),
    ],
    compiler_params=pltpu.CompilerParams(use_tc_tiling_on_sc=False),
)
def _sc_compact(pos_hbm, packed_hbm, out_hbm, pidx, rows):
    wid = lax.axis_index("s") * 2 + lax.axis_index("c")
    win = pl.multiple_of(jnp.minimum((wid * _RPW // 8) * 8, _ROWS - 16), 8)
    pltpu.sync_copy(pos_hbm.at[pl.ds(win, 16)], pidx)
    pltpu.sync_copy(packed_hbm.at[pl.ds(wid * _RPW * 128, _RPW * 128)], rows)
    for c in range(_RPW):
        pltpu.sync_copy(rows.at[pl.ds(c * 128, 128)],
                        out_hbm.at[pidx.at[wid * _RPW + c - win]])


def _nms_body(x0c, y0c, x1c, y1c, scc, x0r, y0r, x1r, y1r, scr,
              pos_out, ox0, oy0, ox1, oy1, osc, m_scr, p_scr):
    cid = lax.broadcasted_iota(jnp.int32, (1, _KPAD), 1)
    vcol = cid < _K
    sr = jnp.where(vcol, scr[...], -jnp.inf)
    xr0 = jnp.where(vcol, x0r[...], 0.0)
    yr0 = jnp.where(vcol, y0r[...], 0.0)
    xr1 = jnp.where(vcol, x1r[...], 0.0)
    yr1 = jnp.where(vcol, y1r[...], 0.0)
    kcol_r = jnp.where(vcol, _sortkey(sr), _IMIN)
    area_r = (xr1 - xr0) * (yr1 - yr0)

    cid8 = lax.broadcasted_iota(jnp.int32, (256, _KPAD), 1)
    for t in range(_KPAD // 256):
        sl = pl.ds(t * 256, 256)
        rid = t * 256 + lax.broadcasted_iota(jnp.int32, (256, _KPAD), 0)
        rid1 = t * 256 + lax.broadcasted_iota(jnp.int32, (256, 1), 0)
        vrow1 = rid1 < _K
        tx0 = jnp.where(vrow1, x0c[sl, :], 0.0)
        ty0 = jnp.where(vrow1, y0c[sl, :], 0.0)
        tx1 = jnp.where(vrow1, x1c[sl, :], 0.0)
        ty1 = jnp.where(vrow1, y1c[sl, :], 0.0)
        ts = jnp.where(vrow1, scc[sl, :], -jnp.inf)
        tk = jnp.where(vrow1, _sortkey(ts), _IMIN)
        area_c = (tx1 - tx0) * (ty1 - ty0)
        wx = jnp.clip(jnp.minimum(tx1, xr1) - jnp.maximum(tx0, xr0), 0.0, None)
        wy = jnp.clip(jnp.minimum(ty1, yr1) - jnp.maximum(ty0, yr0), 0.0, None)
        inter = wx * wy
        iou = inter / (area_c + area_r - inter + 1e-9)
        prio = (tk > kcol_r) | ((tk == kcol_r) & (rid < cid8))
        p_scr[sl, :] = prio.astype(jnp.bfloat16)
        m_scr[sl, :] = (prio & (iou > _THRESH)).astype(jnp.bfloat16)

    def cond(carry):
        return carry[1]

    def body(carry):
        k, _ = carry
        kb = jnp.broadcast_to(k, (8, _KPAD)).astype(jnp.bfloat16)
        supp = jnp.dot(kb, m_scr[...], preferred_element_type=jnp.float32)
        k_new = jnp.where(supp[0:1, :] > 0.0, 0.0, 1.0)
        return k_new, jnp.any(k_new != k)

    k0 = jnp.ones((1, _KPAD), jnp.float32)
    k_fin, _ = lax.while_loop(cond, body, (k0, True))
    kept = (k_fin > 0.0) & vcol

    keptb = jnp.broadcast_to(kept.astype(jnp.float32),
                             (8, _KPAD)).astype(jnp.bfloat16)
    rank = jnp.dot(keptb, p_scr[...],
                   preferred_element_type=jnp.float32)[0:1, :]
    ok = kept & (sr > -jnp.inf) & (rank < _OUT)
    m_cnt = jnp.sum(ok.astype(jnp.float32))

    for t in range(_KPAD // 256):
        sl = pl.ds(t * 256, 256)
        rid = t * 256 + lax.broadcasted_iota(jnp.int32, (256, _KPAD), 0)
        m_scr[sl, :] = (rid < cid8).astype(jnp.bfloat16)
    nokb = jnp.broadcast_to((~ok).astype(jnp.float32),
                            (8, _KPAD)).astype(jnp.bfloat16)
    nrank = jnp.dot(nokb, m_scr[...],
                    preferred_element_type=jnp.float32)[0:1, :]

    pos_out[...] = jnp.where(ok, rank, m_cnt + nrank).astype(jnp.int32)
    ox0[...] = jnp.where(ok, xr0, 0.0)
    oy0[...] = jnp.where(ok, yr0, 0.0)
    ox1[...] = jnp.where(ok, xr1, 0.0)
    oy1[...] = jnp.where(ok, yr1, 0.0)
    osc[...] = jnp.where(ok, sr, 0.0)


def _nms(sel):
    colrefs = [sel[:, i:i + 1] for i in range(5)]
    rowrefs = [sel[:, i].reshape(1, _KPAD) for i in range(5)]
    row = jax.ShapeDtypeStruct((1, _KPAD), jnp.float32)
    return pl.pallas_call(
        _nms_body,
        out_shape=[jax.ShapeDtypeStruct((1, _KPAD), jnp.int32)] + [row] * 5,
        scratch_shapes=[pltpu.VMEM((_KPAD, _KPAD), jnp.bfloat16),
                        pltpu.VMEM((_KPAD, _KPAD), jnp.bfloat16)],
    )(*colrefs, *rowrefs)


@functools.partial(
    pl.kernel,
    mesh=_sc_mesh,
    out_type=jax.ShapeDtypeStruct((_KPAD, 8), jnp.float32),
    scratch_types=[
        pltpu.VMEM((_KPAD // 128, 128), jnp.int32),
        pltpu.VMEM((128, 8), jnp.float32),
    ],
    compiler_params=pltpu.CompilerParams(use_tc_tiling_on_sc=False),
)
def _sc_emit(pos_hbm, rows_hbm, out_hbm, pidx, rows):
    wid = lax.axis_index("s") * 2 + lax.axis_index("c")

    @pl.when(wid < _KPAD // 128)
    def _():
        pltpu.sync_copy(pos_hbm, pidx)
        pltpu.sync_copy(rows_hbm.at[pl.ds(wid * 128, 128)], rows)
        pltpu.sync_copy(rows, out_hbm.at[pidx.at[wid]])


def kernel(anchors, regressions, scores):
    pad = _NPAD - _N

    def col(x):
        return jnp.pad(x, (0, pad)).reshape(_ROWS, 128)

    cols = ([col(anchors[:, i]) for i in range(4)]
            + [col(regressions[:, i]) for i in range(4)]
            + [col(scores)])
    bx0, by0, bx1, by1, ms, pos = _prep(cols)

    packed = jnp.stack(
        [bx0.reshape(-1), by0.reshape(-1), bx1.reshape(-1), by1.reshape(-1),
         ms.reshape(-1)] + [jnp.zeros((_NPAD,), jnp.float32)] * 3, axis=1)
    sel = _sc_compact(pos, packed)[:_KPAD]

    pos2, mx0, my0, mx1, my1, msc = _nms(sel)

    rows2 = jnp.stack(
        [mx0.reshape(-1), my0.reshape(-1), mx1.reshape(-1), my1.reshape(-1),
         msc.reshape(-1)] + [jnp.zeros((_KPAD,), jnp.float32)] * 3, axis=1)
    outp = _sc_emit(pos2.reshape(_KPAD // 128, 128), rows2)
    return outp[:_OUT, :5]

# --- scband reference (transcript-rebuilt; emitter-appended) ---
"""Pipeline reference for scband-rpn-65695819759989 (READ-ONLY COPY).

The authoritative reference and input builder live on the scoring server;
editing this copy changes nothing except your own understanding.
"""

import jax, jax.numpy as jnp
import numpy as np
import math

IMAGE_SIZE = 800.0
N_BOXES = 20000
PRE_NMS_TOP = 2000
POST_NMS_TOP = 1000
NMS_THRESH = 0.7
MIN_SIZE = 0.001


def setup_inputs(seed: int = 0) -> dict:
    key = jax.random.key(seed)
    k1, k2, k3, k4 = jax.random.split(key, 4)
    cxcy = jax.random.uniform(k1, (N_BOXES, 2), minval=0.0, maxval=IMAGE_SIZE)
    wh = jax.random.uniform(k2, (N_BOXES, 2), minval=16.0, maxval=256.0)
    anchors = jnp.concatenate([cxcy - 0.5 * wh, cxcy + 0.5 * wh], axis=1)
    regressions = jax.random.normal(k3, (N_BOXES, 4), dtype=jnp.float32) * 0.1
    scores = jax.random.normal(k4, (N_BOXES,), dtype=jnp.float32)
    return {"anchors": anchors, "regressions": regressions, "scores": scores}


def _pairwise_iou(boxes):
    area = (boxes[:, 2] - boxes[:, 0]) * (boxes[:, 3] - boxes[:, 1])
    lt = jnp.maximum(boxes[:, None, :2], boxes[None, :, :2])
    rb = jnp.minimum(boxes[:, None, 2:], boxes[None, :, 2:])
    wh = jnp.clip(rb - lt, 0.0)
    inter = wh[:, :, 0] * wh[:, :, 1]
    return inter / (area[:, None] + area[None, :] - inter + 1e-9)


def reference(anchors, regressions, scores):
    # --- decode proposals from anchors + regression deltas (faithful to torch RPN.forward) ---
    width = anchors[:, 2] - anchors[:, 0]
    height = anchors[:, 3] - anchors[:, 1]
    center_x = anchors[:, 0] + width / 2
    center_y = anchors[:, 1] + height / 2
    dx = regressions[:, 0]
    dy = regressions[:, 1]
    dw = jnp.minimum(regressions[:, 2], math.log(1000.0 / 16))
    dh = jnp.minimum(regressions[:, 3], math.log(1000.0 / 16))
    pre_x = center_x + dx * width
    pre_y = center_y + dy * height
    pre_w = jnp.exp(dw) * width
    pre_h = jnp.exp(dh) * height
    boxes = jnp.stack([pre_x - 0.5 * pre_w, pre_y - 0.5 * pre_h,
                       pre_x + 0.5 * pre_w, pre_y + 0.5 * pre_h], axis=1)
    # clip to image
    boxes = jnp.clip(boxes, 0.0, IMAGE_SIZE)
    # small-box filter
    bw = boxes[:, 2] - boxes[:, 0]
    bh = boxes[:, 3] - boxes[:, 1]
    valid = (bw >= MIN_SIZE) & (bh >= MIN_SIZE)
    masked_scores = jnp.where(valid, scores, -jnp.inf)
    # pre-NMS top-k
    top_scores, top_idx = jax.lax.top_k(masked_scores, PRE_NMS_TOP)
    top_boxes = boxes[top_idx]
    # greedy NMS over score-sorted proposals
    iou = _pairwise_iou(top_boxes)
    K = PRE_NMS_TOP
    idxs = jnp.arange(K)

    def body(i, keep):
        suppress = (iou[i] > NMS_THRESH) & (idxs > i) & keep[i]
        return keep & (~suppress)

    keep = jax.lax.fori_loop(0, K, body, jnp.ones((K,), dtype=bool))
    kept_scores = jnp.where(keep, top_scores, -jnp.inf)
    final_scores, sel = jax.lax.top_k(kept_scores, POST_NMS_TOP)
    final_boxes = top_boxes[sel]
    final_valid = jnp.isfinite(final_scores)
    out = jnp.concatenate([final_boxes, final_scores[:, None]], axis=1)
    out = jnp.where(final_valid[:, None], out, 0.0)
    return out

if __name__ == "__main__":
    import jax
    _d = setup_inputs()
    print(jax.jit(kernel)(*tuple(_d.values())))

</pallas_src>

<mosaic_0001>
#map = affine_map<(d0, d1) -> (0, 0)>
module attributes {stable_mosaic.version = 14 : i64} {
  func.func @_sc_compact(%arg0: i32, %arg1: i32, %arg2: memref<160x128xi32, #tpu.memory_space<hbm>>, %arg3: memref<20480x8xf32, #tpu.memory_space<hbm>>, %arg4: memref<22528x8xf32, #tpu.memory_space<hbm>>, %arg5: memref<16x128xi32, #tpu.memory_space<vmem>>, %arg6: memref<640x8xf32, #tpu.memory_space<vmem>>) attributes {dimension_semantics = [#tpu.dimension_semantics<core_parallel>, #tpu.dimension_semantics<subcore_parallel>], iteration_bounds = array<i64: 2, 16>, scalar_prefetch = 0 : i64, scratch_operands = 2 : i64, tpu.core_type = #tpu.core_type<sc_vector_subcore>, window_params = [{transform_indices = #map}, {transform_indices = #map}, {transform_indices = #map}]} {
    %mul3A = arith.constant 2 : i32
    %mul3A_0 = arith.muli %arg1, %mul3A : i32
    %add3A = arith.addi %mul3A_0, %arg0 : i32
    %mul3A_1 = arith.constant 5 : i32
    %mul3A_2 = arith.muli %add3A, %mul3A_1 : i32
    %jit3A = arith.constant 8 : i32
    %div3A = arith.divsi %mul3A_2, %jit3A : i32
    %sign3A = arith.constant 0 : i32
    %sign3A_3 = arith.cmpi sgt, %mul3A_2, %sign3A : i32
    %sign3A_4 = arith.extui %sign3A_3 : i1 to i32
    %sign3A_5 = arith.constant 0 : i32
    %sign3A_6 = arith.cmpi slt, %mul3A_2, %sign3A_5 : i32
    %sign3A_7 = arith.extui %sign3A_6 : i1 to i32
    %sign3A_8 = arith.subi %sign3A_4, %sign3A_7 : i32
    %sign3A_9 = arith.constant 0 : i32
    %sign3A_10 = arith.cmpi sgt, %jit3A, %sign3A_9 : i32
    %sign3A_11 = arith.extui %sign3A_10 : i1 to i32
    %sign3A_12 = arith.constant 0 : i32
    %sign3A_13 = arith.cmpi slt, %jit3A, %sign3A_12 : i32
    %sign3A_14 = arith.extui %sign3A_13 : i1 to i32
    %sign3A_15 = arith.subi %sign3A_11, %sign3A_14 : i32
    %ne3A = arith.cmpi ne, %sign3A_8, %sign3A_15 : i32
    %rem3A = arith.remsi %mul3A_2, %jit3A : i32
    %ne3A_16 = arith.constant 0 : i32
    %ne3A_17 = arith.cmpi ne, %rem3A, %ne3A_16 : i32
    %and3A = arith.andi %ne3A, %ne3A_17 : i1
    %sub3A = arith.constant 1 : i32
    %sub3A_18 = arith.subi %div3A, %sub3A : i32
    %select_n3A = arith.select %and3A, %sub3A_18, %div3A : i32
    %mul3A_19 = arith.constant 8 : i32
    %mul3A_20 = arith.muli %select_n3A, %mul3A_19 : i32
    %min3A = arith.constant 144 : i32
    %min3A_21 = arith.minsi %mul3A_20, %min3A : i32
    %multiple_of3A = tpu.assume_multiple %min3A_21, 8 : i32
    "tpu.region"() ({
      %run_scoped3A = tpu.sem_alloc : memref<!tpu.dma_semaphore, #tpu.memory_space<semaphore_mem>>
      %dma_start3A = arith.constant 0 : i32
      %dma_start3A_51 = tpu.memref_slice %arg2[%multiple_of3A, %dma_start3A] : memref<160x128xi32, #tpu.memory_space<hbm>> -> memref<16x128xi32, #tpu.memory_space<hbm>>
      %dma_start3A_52 = arith.constant 0 : i32
      %dma_start3A_53 = tpu.memref_slice %arg2[%multiple_of3A, %dma_start3A_52] : memref<160x128xi32, #tpu.memory_space<hbm>> -> memref<16x128xi32, #tpu.memory_space<hbm>>
      tpu.enqueue_dma source(%dma_start3A_53 : memref<16x128xi32, #tpu.memory_space<hbm>>) target(%arg5 : memref<16x128xi32, #tpu.memory_space<vmem>>) target_semaphore(%run_scoped3A : memref<!tpu.dma_semaphore, #tpu.memory_space<semaphore_mem>>)
      %dma_wait3A = arith.constant 0 : i32
      %dma_wait3A_54 = tpu.memref_slice %arg2[%multiple_of3A, %dma_wait3A] : memref<160x128xi32, #tpu.memory_space<hbm>> -> memref<16x128xi32, #tpu.memory_space<hbm>>
      %dma_wait3A_55 = arith.constant 0 : i32
      %dma_wait3A_56 = tpu.memref_slice %arg2[%multiple_of3A, %dma_wait3A_55] : memref<160x128xi32, #tpu.memory_space<hbm>> -> memref<16x128xi32, #tpu.memory_space<hbm>>
      tpu.wait_dma2 semaphore(%run_scoped3A : memref<!tpu.dma_semaphore, #tpu.memory_space<semaphore_mem>>) src(%dma_wait3A_56 : memref<16x128xi32, #tpu.memory_space<hbm>>) dst(%arg5 : memref<16x128xi32, #tpu.memory_space<vmem>>)
      tpu.yield
    }) : () -> ()
    %mul3A_22 = arith.constant 5 : i32
    %mul3A_23 = arith.muli %add3A, %mul3A_22 : i32
    %mul3A_24 = arith.constant 128 : i32
    %mul3A_25 = arith.muli %mul3A_23, %mul3A_24 : i32
    "tpu.region"() ({
      %run_scoped3A = tpu.sem_alloc : memref<!tpu.dma_semaphore, #tpu.memory_space<semaphore_mem>>
      %dma_start3A = arith.constant 0 : i32
      %dma_start3A_51 = tpu.memref_slice %arg3[%mul3A_25, %dma_start3A] : memref<20480x8xf32, #tpu.memory_space<hbm>> -> memref<640x8xf32, #tpu.memory_space<hbm>>
      %dma_start3A_52 = arith.constant 0 : i32
      %dma_start3A_53 = tpu.memref_slice %arg3[%mul3A_25, %dma_start3A_52] : memref<20480x8xf32, #tpu.memory_space<hbm>> -> memref<640x8xf32, #tpu.memory_space<hbm>>
      tpu.enqueue_dma source(%dma_start3A_53 : memref<640x8xf32, #tpu.memory_space<hbm>>) target(%arg6 : memref<640x8xf32, #tpu.memory_space<vmem>>) target_semaphore(%run_scoped3A : memref<!tpu.dma_semaphore, #tpu.memory_space<semaphore_mem>>)
      %dma_wait3A = arith.constant 0 : i32
      %dma_wait3A_54 = tpu.memref_slice %arg3[%mul3A_25, %dma_wait3A] : memref<20480x8xf32, #tpu.memory_space<hbm>> -> memref<640x8xf32, #tpu.memory_space<hbm>>
      %dma_wait3A_55 = arith.constant 0 : i32
      %dma_wait3A_56 = tpu.memref_slice %arg3[%mul3A_25, %dma_wait3A_55] : memref<20480x8xf32, #tpu.memory_space<hbm>> -> memref<640x8xf32, #tpu.memory_space<hbm>>
      tpu.wait_dma2 semaphore(%run_scoped3A : memref<!tpu.dma_semaphore, #tpu.memory_space<semaphore_mem>>) src(%dma_wait3A_56 : memref<640x8xf32, #tpu.memory_space<hbm>>) dst(%arg6 : memref<640x8xf32, #tpu.memory_space<vmem>>)
      tpu.yield
    }) : () -> ()
    %mul3A_26 = arith.constant 5 : i32
    %mul3A_27 = arith.muli %add3A, %mul3A_26 : i32
    %add3A_28 = arith.constant 0 : i32
    %add3A_29 = arith.addi %mul3A_27, %add3A_28 : i32
    %sub3A_30 = arith.subi %add3A_29, %multiple_of3A : i32
    "tpu.region"() ({
      %run_scoped3A = tpu.sem_alloc : memref<!tpu.dma_semaphore, #tpu.memory_space<semaphore_mem>>
      %dma_start3A = arith.constant 0 : i32
      %dma_start3A_51 = arith.constant 0 : i32
      %dma_start3A_52 = tpu.memref_slice %arg6[%dma_start3A, %dma_start3A_51] : memref<640x8xf32, #tpu.memory_space<vmem>> -> memref<128x8xf32, #tpu.memory_space<vmem>>
      %dma_start3A_53 = arith.constant 0 : i32
      %dma_start3A_54 = tpu.memref_slice %arg5[%sub3A_30, %dma_start3A_53] : memref<16x128xi32, #tpu.memory_space<vmem>> -> memref<1x128xi32, #tpu.memory_space<vmem>>
      %dma_start3A_55 = tpu.memref_squeeze %dma_start3A_54 : memref<1x128xi32, #tpu.memory_space<vmem>> -> memref<128xi32, #tpu.memory_space<vmem>>
      %dma_start3A_56 = arith.constant 0 : i32
      %dma_start3A_57 = arith.constant 0 : i32
      %dma_start3A_58 = tpu.memref_slice %arg4[%dma_start3A_56, %dma_start3A_57] : memref<22528x8xf32, #tpu.memory_space<hbm>> -> memref<22528x8xf32, #tpu.memory_space<hbm>>
      tpu.enqueue_indirect_dma source(%dma_start3A_52 : memref<128x8xf32, #tpu.memory_space<vmem>>) target(%dma_start3A_58 : memref<22528x8xf32, #tpu.memory_space<hbm>>) offsets(%dma_start3A_55 : memref<128xi32, #tpu.memory_space<vmem>>) semaphore(%run_scoped3A : memref<!tpu.dma_semaphore, #tpu.memory_space<semaphore_mem>>)
      %dma_wait3A = arith.constant 0 : i32
      %dma_wait3A_59 = arith.constant 0 : i32
      %dma_wait3A_60 = tpu.memref_slice %arg6[%dma_wait3A, %dma_wait3A_59] : memref<640x8xf32, #tpu.memory_space<vmem>> -> memref<128x8xf32, #tpu.memory_space<vmem>>
      %dma_wait3A_61 = arith.constant 0 : i32
      %dma_wait3A_62 = tpu.memref_slice %arg5[%sub3A_30, %dma_wait3A_61] : memref<16x128xi32, #tpu.memory_space<vmem>> -> memref<1x128xi32, #tpu.memory_space<vmem>>
      %dma_wait3A_63 = tpu.memref_squeeze %dma_wait3A_62 : memref<1x128xi32, #tpu.memory_space<vmem>> -> memref<128xi32, #tpu.memory_space<vmem>>
      %dma_wait3A_64 = arith.constant 0 : i32
      %dma_wait3A_65 = arith.constant 0 : i32
      %dma_wait3A_66 = tpu.memref_slice %arg4[%dma_wait3A_64, %dma_wait3A_65] : memref<22528x8xf32, #tpu.memory_space<hbm>> -> memref<22528x8xf32, #tpu.memory_space<hbm>>
      tpu.wait_indirect_dma semaphore(%run_scoped3A : memref<!tpu.dma_semaphore, #tpu.memory_space<semaphore_mem>>) src(%dma_wait3A_60 : memref<128x8xf32, #tpu.memory_space<vmem>>) dst(%dma_wait3A_66 : memref<22528x8xf32, #tpu.memory_space<hbm>>)
      tpu.yield
    }) : () -> ()
    %mul3A_31 = arith.constant 5 : i32
    %mul3A_32 = arith.muli %add3A, %mul3A_31 : i32
    %add3A_33 = arith.constant 1 : i32
    %add3A_34 = arith.addi %mul3A_32, %add3A_33 : i32
    %sub3A_35 = arith.subi %add3A_34, %multiple_of3A : i32
    "tpu.region"() ({
      %run_scoped3A = tpu.sem_alloc : memref<!tpu.dma_semaphore, #tpu.memory_space<semaphore_mem>>
      %dma_start3A = arith.constant 128 : i32
      %dma_start3A_51 = arith.constant 0 : i32
      %dma_start3A_52 = tpu.memref_slice %arg6[%dma_start3A, %dma_start3A_51] : memref<640x8xf32, #tpu.memory_space<vmem>> -> memref<128x8xf32, #tpu.memory_space<vmem>>
      %dma_start3A_53 = arith.constant 0 : i32
      %dma_start3A_54 = tpu.memref_slice %arg5[%sub3A_35, %dma_start3A_53] : memref<16x128xi32, #tpu.memory_space<vmem>> -> memref<1x128xi32, #tpu.memory_space<vmem>>
      %dma_start3A_55 = tpu.memref_squeeze %dma_start3A_54 : memref<1x128xi32, #tpu.memory_space<vmem>> -> memref<128xi32, #tpu.memory_space<vmem>>
      %dma_start3A_56 = arith.constant 0 : i32
      %dma_start3A_57 = arith.constant 0 : i32
      %dma_start3A_58 = tpu.memref_slice %arg4[%dma_start3A_56, %dma_start3A_57] : memref<22528x8xf32, #tpu.memory_space<hbm>> -> memref<22528x8xf32, #tpu.memory_space<hbm>>
      tpu.enqueue_indirect_dma source(%dma_start3A_52 : memref<128x8xf32, #tpu.memory_space<vmem>>) target(%dma_start3A_58 : memref<22528x8xf32, #tpu.memory_space<hbm>>) offsets(%dma_start3A_55 : memref<128xi32, #tpu.memory_space<vmem>>) semaphore(%run_scoped3A : memref<!tpu.dma_semaphore, #tpu.memory_space<semaphore_mem>>)
      %dma_wait3A = arith.constant 128 : i32
      %dma_wait3A_59 = arith.constant 0 : i32
      %dma_wait3A_60 = tpu.memref_slice %arg6[%dma_wait3A, %dma_wait3A_59] : memref<640x8xf32, #tpu.memory_space<vmem>> -> memref<128x8xf32, #tpu.memory_space<vmem>>
      %dma_wait3A_61 = arith.constant 0 : i32
      %dma_wait3A_62 = tpu.memref_slice %arg5[%sub3A_35, %dma_wait3A_61] : memref<16x128xi32, #tpu.memory_space<vmem>> -> memref<1x128xi32, #tpu.memory_space<vmem>>
      %dma_wait3A_63 = tpu.memref_squeeze %dma_wait3A_62 : memref<1x128xi32, #tpu.memory_space<vmem>> -> memref<128xi32, #tpu.memory_space<vmem>>
      %dma_wait3A_64 = arith.constant 0 : i32
      %dma_wait3A_65 = arith.constant 0 : i32
      %dma_wait3A_66 = tpu.memref_slice %arg4[%dma_wait3A_64, %dma_wait3A_65] : memref<22528x8xf32, #tpu.memory_space<hbm>> -> memref<22528x8xf32, #tpu.memory_space<hbm>>
      tpu.wait_indirect_dma semaphore(%run_scoped3A : memref<!tpu.dma_semaphore, #tpu.memory_space<semaphore_mem>>) src(%dma_wait3A_60 : memref<128x8xf32, #tpu.memory_space<vmem>>) dst(%dma_wait3A_66 : memref<22528x8xf32, #tpu.memory_space<hbm>>)
      tpu.yield
    }) : () -> ()
    %mul3A_36 = arith.constant 5 : i32
    %mul3A_37 = arith.muli %add3A, %mul3A_36 : i32
    %add3A_38 = arith.constant 2 : i32
    %add3A_39 = arith.addi %mul3A_37, %add3A_38 : i32
    %sub3A_40 = arith.subi %add3A_39, %multiple_of3A : i32
    "tpu.region"() ({
      %run_scoped3A = tpu.sem_alloc : memref<!tpu.dma_semaphore, #tpu.memory_space<semaphore_mem>>
      %dma_start3A = arith.constant 256 : i32
      %dma_start3A_51 = arith.constant 0 : i32
      %dma_start3A_52 = tpu.memref_slice %arg6[%dma_start3A, %dma_start3A_51] : memref<640x8xf32, #tpu.memory_space<vmem>> -> memref<128x8xf32, #tpu.memory_space<vmem>>
      %dma_start3A_53 = arith.constant 0 : i32
      %dma_start3A_54 = tpu.memref_slice %arg5[%sub3A_40, %dma_start3A_53] : memref<16x128xi32, #tpu.memory_space<vmem>> -> memref<1x128xi32, #tpu.memory_space<vmem>>
      %dma_start3A_55 = tpu.memref_squeeze %dma_start3A_54 : memref<1x128xi32, #tpu.memory_space<vmem>> -> memref<128xi32, #tpu.memory_space<vmem>>
      %dma_start3A_56 = arith.constant 0 : i32
      %dma_start3A_57 = arith.constant 0 : i32
      %dma_start3A_58 = tpu.memref_slice %arg4[%dma_start3A_56, %dma_start3A_57] : memref<22528x8xf32, #tpu.memory_space<hbm>> -> memref<22528x8xf32, #tpu.memory_space<hbm>>
      tpu.enqueue_indirect_dma source(%dma_start3A_52 : memref<128x8xf32, #tpu.memory_space<vmem>>) target(%dma_start3A_58 : memref<22528x8xf32, #tpu.memory_space<hbm>>) offsets(%dma_start3A_55 : memref<128xi32, #tpu.memory_space<vmem>>) semaphore(%run_scoped3A : memref<!tpu.dma_semaphore, #tpu.memory_space<semaphore_mem>>)
      %dma_wait3A = arith.constant 256 : i32
      %dma_wait3A_59 = arith.constant 0 : i32
      %dma_wait3A_60 = tpu.memref_slice %arg6[%dma_wait3A, %dma_wait3A_59] : memref<640x8xf32, #tpu.memory_space<vmem>> -> memref<128x8xf32, #tpu.memory_space<vmem>>
      %dma_wait3A_61 = arith.constant 0 : i32
      %dma_wait3A_62 = tpu.memref_slice %arg5[%sub3A_40, %dma_wait3A_61] : memref<16x128xi32, #tpu.memory_space<vmem>> -> memref<1x128xi32, #tpu.memory_space<vmem>>
      %dma_wait3A_63 = tpu.memref_squeeze %dma_wait3A_62 : memref<1x128xi32, #tpu.memory_space<vmem>> -> memref<128xi32, #tpu.memory_space<vmem>>
      %dma_wait3A_64 = arith.constant 0 : i32
      %dma_wait3A_65 = arith.constant 0 : i32
      %dma_wait3A_66 = tpu.memref_slice %arg4[%dma_wait3A_64, %dma_wait3A_65] : memref<22528x8xf32, #tpu.memory_space<hbm>> -> memref<22528x8xf32, #tpu.memory_space<hbm>>
      tpu.wait_indirect_dma semaphore(%run_scoped3A : memref<!tpu.dma_semaphore, #tpu.memory_space<semaphore_mem>>) src(%dma_wait3A_60 : memref<128x8xf32, #tpu.memory_space<vmem>>) dst(%dma_wait3A_66 : memref<22528x8xf32, #tpu.memory_space<hbm>>)
      tpu.yield
    }) : () -> ()
    %mul3A_41 = arith.constant 5 : i32
    %mul3A_42 = arith.muli %add3A, %mul3A_41 : i32
    %add3A_43 = arith.constant 3 : i32
    %add3A_44 = arith.addi %mul3A_42, %add3A_43 : i32
    %sub3A_45 = arith.subi %add3A_44, %multiple_of3A : i32
    "tpu.region"() ({
      %run_scoped3A = tpu.sem_alloc : memref<!tpu.dma_semaphore, #tpu.memory_space<semaphore_mem>>
      %dma_start3A = arith.constant 384 : i32
      %dma_start3A_51 = arith.constant 0 : i32
      %dma_start3A_52 = tpu.memref_slice %arg6[%dma_start3A, %dma_start3A_51] : memref<640x8xf32, #tpu.memory_space<vmem>> -> memref<128x8xf32, #tpu.memory_space<vmem>>
      %dma_start3A_53 = arith.constant 0 : i32
      %dma_start3A_54 = tpu.memref_slice %arg5[%sub3A_45, %dma_start3A_53] : memref<16x128xi32, #tpu.memory_space<vmem>> -> memref<1x128xi32, #tpu.memory_space<vmem>>
      %dma_start3A_55 = tpu.memref_squeeze %dma_start3A_54 : memref<1x128xi32, #tpu.memory_space<vmem>> -> memref<128xi32, #tpu.memory_space<vmem>>
      %dma_start3A_56 = arith.constant 0 : i32
      %dma_start3A_57 = arith.constant 0 : i32
      %dma_start3A_58 = tpu.memref_slice %arg4[%dma_start3A_56, %dma_start3A_57] : memref<22528x8xf32, #tpu.memory_space<hbm>> -> memref<22528x8xf32, #tpu.memory_space<hbm>>
      tpu.enqueue_indirect_dma source(%dma_start3A_52 : memref<128x8xf32, #tpu.memory_space<vmem>>) target(%dma_start3A_58 : memref<22528x8xf32, #tpu.memory_space<hbm>>) offsets(%dma_start3A_55 : memref<128xi32, #tpu.memory_space<vmem>>) semaphore(%run_scoped3A : memref<!tpu.dma_semaphore, #tpu.memory_space<semaphore_mem>>)
      %dma_wait3A = arith.constant 384 : i32
      %dma_wait3A_59 = arith.constant 0 : i32
      %dma_wait3A_60 = tpu.memref_slice %arg6[%dma_wait3A, %dma_wait3A_59] : memref<640x8xf32, #tpu.memory_space<vmem>> -> memref<128x8xf32, #tpu.memory_space<vmem>>
      %dma_wait3A_61 = arith.constant 0 : i32
      %dma_wait3A_62 = tpu.memref_slice %arg5[%sub3A_45, %dma_wait3A_61] : memref<16x128xi32, #tpu.memory_space<vmem>> -> memref<1x128xi32, #tpu.memory_space<vmem>>
      %dma_wait3A_63 = tpu.memref_squeeze %dma_wait3A_62 : memref<1x128xi32, #tpu.memory_space<vmem>> -> memref<128xi32, #tpu.memory_space<vmem>>
      %dma_wait3A_64 = arith.constant 0 : i32
      %dma_wait3A_65 = arith.constant 0 : i32
      %dma_wait3A_66 = tpu.memref_slice %arg4[%dma_wait3A_64, %dma_wait3A_65] : memref<22528x8xf32, #tpu.memory_space<hbm>> -> memref<22528x8xf32, #tpu.memory_space<hbm>>
      tpu.wait_indirect_dma semaphore(%run_scoped3A : memref<!tpu.dma_semaphore, #tpu.memory_space<semaphore_mem>>) src(%dma_wait3A_60 : memref<128x8xf32, #tpu.memory_space<vmem>>) dst(%dma_wait3A_66 : memref<22528x8xf32, #tpu.memory_space<hbm>>)
      tpu.yield
    }) : () -> ()
    %mul3A_46 = arith.constant 5 : i32
    %mul3A_47 = arith.muli %add3A, %mul3A_46 : i32
    %add3A_48 = arith.constant 4 : i32
    %add3A_49 = arith.addi %mul3A_47, %add3A_48 : i32
    %sub3A_50 = arith.subi %add3A_49, %multiple_of3A : i32
    "tpu.region"() ({
      %run_scoped3A = tpu.sem_alloc : memref<!tpu.dma_semaphore, #tpu.memory_space<semaphore_mem>>
      %dma_start3A = arith.constant 512 : i32
      %dma_start3A_51 = arith.constant 0 : i32
      %dma_start3A_52 = tpu.memref_slice %arg6[%dma_start3A, %dma_start3A_51] : memref<640x8xf32, #tpu.memory_space<vmem>> -> memref<128x8xf32, #tpu.memory_space<vmem>>
      %dma_start3A_53 = arith.constant 0 : i32
      %dma_start3A_54 = tpu.memref_slice %arg5[%sub3A_50, %dma_start3A_53] : memref<16x128xi32, #tpu.memory_space<vmem>> -> memref<1x128xi32, #tpu.memory_space<vmem>>
      %dma_start3A_55 = tpu.memref_squeeze %dma_start3A_54 : memref<1x128xi32, #tpu.memory_space<vmem>> -> memref<128xi32, #tpu.memory_space<vmem>>
      %dma_start3A_56 = arith.constant 0 : i32
      %dma_start3A_57 = arith.constant 0 : i32
      %dma_start3A_58 = tpu.memref_slice %arg4[%dma_start3A_56, %dma_start3A_57] : memref<22528x8xf32, #tpu.memory_space<hbm>> -> memref<22528x8xf32, #tpu.memory_space<hbm>>
      tpu.enqueue_indirect_dma source(%dma_start3A_52 : memref<128x8xf32, #tpu.memory_space<vmem>>) target(%dma_start3A_58 : memref<22528x8xf32, #tpu.memory_space<hbm>>) offsets(%dma_start3A_55 : memref<128xi32, #tpu.memory_space<vmem>>) semaphore(%run_scoped3A : memref<!tpu.dma_semaphore, #tpu.memory_space<semaphore_mem>>)
      %dma_wait3A = arith.constant 512 : i32
      %dma_wait3A_59 = arith.constant 0 : i32
      %dma_wait3A_60 = tpu.memref_slice %arg6[%dma_wait3A, %dma_wait3A_59] : memref<640x8xf32, #tpu.memory_space<vmem>> -> memref<128x8xf32, #tpu.memory_space<vmem>>
      %dma_wait3A_61 = arith.constant 0 : i32
      %dma_wait3A_62 = tpu.memref_slice %arg5[%sub3A_50, %dma_wait3A_61] : memref<16x128xi32, #tpu.memory_space<vmem>> -> memref<1x128xi32, #tpu.memory_space<vmem>>
      %dma_wait3A_63 = tpu.memref_squeeze %dma_wait3A_62 : memref<1x128xi32, #tpu.memory_space<vmem>> -> memref<128xi32, #tpu.memory_space<vmem>>
      %dma_wait3A_64 = arith.constant 0 : i32
      %dma_wait3A_65 = arith.constant 0 : i32
      %dma_wait3A_66 = tpu.memref_slice %arg4[%dma_wait3A_64, %dma_wait3A_65] : memref<22528x8xf32, #tpu.memory_space<hbm>> -> memref<22528x8xf32, #tpu.memory_space<hbm>>
      tpu.wait_indirect_dma semaphore(%run_scoped3A : memref<!tpu.dma_semaphore, #tpu.memory_space<semaphore_mem>>) src(%dma_wait3A_60 : memref<128x8xf32, #tpu.memory_space<vmem>>) dst(%dma_wait3A_66 : memref<22528x8xf32, #tpu.memory_space<hbm>>)
      tpu.yield
    }) : () -> ()
    return
  }
}

#map = affine_map<(d0, d1) -> (0, 0)>
module attributes {stable_mosaic.version = 14 : i64} {
  func.func @_sc_emit(%arg0: i32, %arg1: i32, %arg2: memref<16x128xi32, #tpu.memory_space<hbm>>, %arg3: memref<2048x8xf32, #tpu.memory_space<hbm>>, %arg4: memref<2048x8xf32, #tpu.memory_space<hbm>>, %arg5: memref<16x128xi32, #tpu.memory_space<vmem>>, %arg6: memref<128x8xf32, #tpu.memory_space<vmem>>) attributes {dimension_semantics = [#tpu.dimension_semantics<core_parallel>, #tpu.dimension_semantics<subcore_parallel>], iteration_bounds = array<i64: 2, 16>, scalar_prefetch = 0 : i64, scratch_operands = 2 : i64, tpu.core_type = #tpu.core_type<sc_vector_subcore>, window_params = [{transform_indices = #map}, {transform_indices = #map}, {transform_indices = #map}]} {
    %mul3A = arith.constant 2 : i32
    %mul3A_0 = arith.muli %arg1, %mul3A : i32
    %add3A = arith.addi %mul3A_0, %arg0 : i32
    %lt3A = arith.constant 16 : i32
    %lt3A_1 = arith.cmpi slt, %add3A, %lt3A : i32
    %convert_element_type3A = arith.extui %lt3A_1 : i1 to i32
    %cond3A = arith.constant 0 : i32
    %cond3A_2 = arith.cmpi ne, %convert_element_type3A, %cond3A : i32
    scf.if %cond3A_2 {
      "tpu.region"() ({
        %run_scoped3A = tpu.sem_alloc : memref<!tpu.dma_semaphore, #tpu.memory_space<semaphore_mem>>
        tpu.enqueue_dma source(%arg2 : memref<16x128xi32, #tpu.memory_space<hbm>>) target(%arg5 : memref<16x128xi32, #tpu.memory_space<vmem>>) target_semaphore(%run_scoped3A : memref<!tpu.dma_semaphore, #tpu.memory_space<semaphore_mem>>)
        tpu.wait_dma2 semaphore(%run_scoped3A : memref<!tpu.dma_semaphore, #tpu.memory_space<semaphore_mem>>) src(%arg2 : memref<16x128xi32, #tpu.memory_space<hbm>>) dst(%arg5 : memref<16x128xi32, #tpu.memory_space<vmem>>)
        tpu.yield
      }) : () -> ()
      %mul3A_3 = arith.constant 128 : i32
      %mul3A_4 = arith.muli %add3A, %mul3A_3 : i32
      "tpu.region"() ({
        %run_scoped3A = tpu.sem_alloc : memref<!tpu.dma_semaphore, #tpu.memory_space<semaphore_mem>>
        %dma_start3A = arith.constant 0 : i32
        %dma_start3A_5 = tpu.memref_slice %arg3[%mul3A_4, %dma_start3A] : memref<2048x8xf32, #tpu.memory_space<hbm>> -> memref<128x8xf32, #tpu.memory_space<hbm>>
        %dma_start3A_6 = arith.constant 0 : i32
        %dma_start3A_7 = tpu.memref_slice %arg3[%mul3A_4, %dma_start3A_6] : memref<2048x8xf32, #tpu.memory_space<hbm>> -> memref<128x8xf32, #tpu.memory_space<hbm>>
        tpu.enqueue_dma source(%dma_start3A_7 : memref<128x8xf32, #tpu.memory_space<hbm>>) target(%arg6 : memref<128x8xf32, #tpu.memory_space<vmem>>) target_semaphore(%run_scoped3A : memref<!tpu.dma_semaphore, #tpu.memory_space<semaphore_mem>>)
        %dma_wait3A = arith.constant 0 : i32
        %dma_wait3A_8 = tpu.memref_slice %arg3[%mul3A_4, %dma_wait3A] : memref<2048x8xf32, #tpu.memory_space<hbm>> -> memref<128x8xf32, #tpu.memory_space<hbm>>
        %dma_wait3A_9 = arith.constant 0 : i32
        %dma_wait3A_10 = tpu.memref_slice %arg3[%mul3A_4, %dma_wait3A_9] : memref<2048x8xf32, #tpu.memory_space<hbm>> -> memref<128x8xf32, #tpu.memory_space<hbm>>
        tpu.wait_dma2 semaphore(%run_scoped3A : memref<!tpu.dma_semaphore, #tpu.memory_space<semaphore_mem>>) src(%dma_wait3A_10 : memref<128x8xf32, #tpu.memory_space<hbm>>) dst(%arg6 : memref<128x8xf32, #tpu.memory_space<vmem>>)
        tpu.yield
      }) : () -> ()
      "tpu.region"() ({
        %run_scoped3A = tpu.sem_alloc : memref<!tpu.dma_semaphore, #tpu.memory_space<semaphore_mem>>
        %dma_start3A = arith.constant 0 : i32
        %dma_start3A_5 = tpu.memref_slice %arg5[%add3A, %dma_start3A] : memref<16x128xi32, #tpu.memory_space<vmem>> -> memref<1x128xi32, #tpu.memory_space<vmem>>
        %dma_start3A_6 = tpu.memref_squeeze %dma_start3A_5 : memref<1x128xi32, #tpu.memory_space<vmem>> -> memref<128xi32, #tpu.memory_space<vmem>>
        %dma_start3A_7 = arith.constant 0 : i32
        %dma_start3A_8 = arith.constant 0 : i32
        %dma_start3A_9 = tpu.memref_slice %arg4[%dma_start3A_7, %dma_start3A_8] : memref<2048x8xf32, #tpu.memory_space<hbm>> -> memref<2048x8xf32, #tpu.memory_space<hbm>>
        tpu.enqueue_indirect_dma source(%arg6 : memref<128x8xf32, #tpu.memory_space<vmem>>) target(%dma_start3A_9 : memref<2048x8xf32, #tpu.memory_space<hbm>>) offsets(%dma_start3A_6 : memref<128xi32, #tpu.memory_space<vmem>>) semaphore(%run_scoped3A : memref<!tpu.dma_semaphore, #tpu.memory_space<semaphore_mem>>)
        %dma_wait3A = arith.constant 0 : i32
        %dma_wait3A_10 = tpu.memref_slice %arg5[%add3A, %dma_wait3A] : memref<16x128xi32, #tpu.memory_space<vmem>> -> memref<1x128xi32, #tpu.memory_space<vmem>>
        %dma_wait3A_11 = tpu.memref_squeeze %dma_wait3A_10 : memref<1x128xi32, #tpu.memory_space<vmem>> -> memref<128xi32, #tpu.memory_space<vmem>>
        %dma_wait3A_12 = arith.constant 0 : i32
        %dma_wait3A_13 = arith.constant 0 : i32
        %dma_wait3A_14 = tpu.memref_slice %arg4[%dma_wait3A_12, %dma_wait3A_13] : memref<2048x8xf32, #tpu.memory_space<hbm>> -> memref<2048x8xf32, #tpu.memory_space<hbm>>
        tpu.wait_indirect_dma semaphore(%run_scoped3A : memref<!tpu.dma_semaphore, #tpu.memory_space<semaphore_mem>>) src(%arg6 : memref<128x8xf32, #tpu.memory_space<vmem>>) dst(%dma_wait3A_14 : memref<2048x8xf32, #tpu.memory_space<hbm>>)
        tpu.yield
      }) : () -> ()
    } else {
    }
    return
  }
}

module attributes {stable_mosaic.version = 14 : i64} {
  func.func @_prep_body(%arg0: memref<160x128xf32, #tpu.memory_space<vmem>>, %arg1: memref<160x128xf32, #tpu.memory_space<vmem>>, %arg2: memref<160x128xf32, #tpu.memory_space<vmem>>, %arg3: memref<160x128xf32, #tpu.memory_space<vmem>>, %arg4: memref<160x128xf32, #tpu.memory_space<vmem>>, %arg5: memref<160x128xf32, #tpu.memory_space<vmem>>, %arg6: memref<160x128xf32, #tpu.memory_space<vmem>>, %arg7: memref<160x128xf32, #tpu.memory_space<vmem>>, %arg8: memref<160x128xf32, #tpu.memory_space<vmem>>, %arg9: memref<160x128xf32, #tpu.memory_space<vmem>>, %arg10: memref<160x128xf32, #tpu.memory_space<vmem>>, %arg11: memref<160x128xf32, #tpu.memory_space<vmem>>, %arg12: memref<160x128xf32, #tpu.memory_space<vmem>>, %arg13: memref<160x128xf32, #tpu.memory_space<vmem>>, %arg14: memref<160x128xi32, #tpu.memory_space<vmem>>) attributes {dimension_semantics = [], scalar_prefetch = 0 : i64, scratch_operands = 0 : i64, tpu.core_type = #tpu.core_type<tc>} {
    %get3A = arith.constant 0 : index
    %get3A_0 = arith.constant 0 : index
    %get3A_1 = vector.load %arg2[%get3A, %get3A_0] : memref<160x128xf32, #tpu.memory_space<vmem>>, vector<160x128xf32>
    %get3A_2 = arith.constant 0 : index
    %get3A_3 = arith.constant 0 : index
    %get3A_4 = vector.load %arg0[%get3A_2, %get3A_3] : memref<160x128xf32, #tpu.memory_space<vmem>>, vector<160x128xf32>
    %sub3A = arith.subf %get3A_1, %get3A_4 : vector<160x128xf32>
    %get3A_5 = arith.constant 0 : index
    %get3A_6 = arith.constant 0 : index
    %get3A_7 = vector.load %arg3[%get3A_5, %get3A_6] : memref<160x128xf32, #tpu.memory_space<vmem>>, vector<160x128xf32>
    %get3A_8 = arith.constant 0 : index
    %get3A_9 = arith.constant 0 : index
    %get3A_10 = vector.load %arg1[%get3A_8, %get3A_9] : memref<160x128xf32, #tpu.memory_space<vmem>>, vector<160x128xf32>
    %sub3A_11 = arith.subf %get3A_7, %get3A_10 : vector<160x128xf32>
    %get3A_12 = arith.constant 0 : index
    %get3A_13 = arith.constant 0 : index
    %get3A_14 = vector.load %arg0[%get3A_12, %get3A_13] : memref<160x128xf32, #tpu.memory_space<vmem>>, vector<160x128xf32>
    %div3A = arith.constant 2.000000e+00 : f32
    %div3A_15 = vector.broadcast %div3A : f32 to vector<160x128xf32>
    %div3A_16 = arith.divf %sub3A, %div3A_15 : vector<160x128xf32>
    %add3A = arith.addf %get3A_14, %div3A_16 : vector<160x128xf32>
    %get3A_17 = arith.constant 0 : index
    %get3A_18 = arith.constant 0 : index
    %get3A_19 = vector.load %arg1[%get3A_17, %get3A_18] : memref<160x128xf32, #tpu.memory_space<vmem>>, vector<160x128xf32>
    %div3A_20 = arith.constant 2.000000e+00 : f32
    %div3A_21 = vector.broadcast %div3A_20 : f32 to vector<160x128xf32>
    %div3A_22 = arith.divf %sub3A_11, %div3A_21 : vector<160x128xf32>
    %add3A_23 = arith.addf %get3A_19, %div3A_22 : vector<160x128xf32>
    %get3A_24 = arith.constant 0 : index
    %get3A_25 = arith.constant 0 : index
    %get3A_26 = vector.load %arg6[%get3A_24, %get3A_25] : memref<160x128xf32, #tpu.memory_space<vmem>>, vector<160x128xf32>
    %min3A = arith.constant 4.13516665 : f32
    %min3A_27 = vector.broadcast %min3A : f32 to vector<160x128xf32>
    %min3A_28 = arith.minimumf %get3A_26, %min3A_27 : vector<160x128xf32>
    %get3A_29 = arith.constant 0 : index
    %get3A_30 = arith.constant 0 : index
    %get3A_31 = vector.load %arg7[%get3A_29, %get3A_30] : memref<160x128xf32, #tpu.memory_space<vmem>>, vector<160x128xf32>
    %min3A_32 = arith.constant 4.13516665 : f32
    %min3A_33 = vector.broadcast %min3A_32 : f32 to vector<160x128xf32>
    %min3A_34 = arith.minimumf %get3A_31, %min3A_33 : vector<160x128xf32>
    %get3A_35 = arith.constant 0 : index
    %get3A_36 = arith.constant 0 : index
    %get3A_37 = vector.load %arg4[%get3A_35, %get3A_36] : memref<160x128xf32, #tpu.memory_space<vmem>>, vector<160x128xf32>
    %mul3A = arith.mulf %get3A_37, %sub3A : vector<160x128xf32>
    %add3A_38 = arith.addf %add3A, %mul3A : vector<160x128xf32>
    %get3A_39 = arith.constant 0 : index
    %get3A_40 = arith.constant 0 : index
    %get3A_41 = vector.load %arg5[%get3A_39, %get3A_40] : memref<160x128xf32, #tpu.memory_space<vmem>>, vector<160x128xf32>
    %mul3A_42 = arith.mulf %get3A_41, %sub3A_11 : vector<160x128xf32>
    %add3A_43 = arith.addf %add3A_23, %mul3A_42 : vector<160x128xf32>
    %exp3A = math.exp %min3A_28 : vector<160x128xf32>
    %mul3A_44 = arith.mulf %exp3A, %sub3A : vector<160x128xf32>
    %exp3A_45 = math.exp %min3A_34 : vector<160x128xf32>
    %mul3A_46 = arith.mulf %exp3A_45, %sub3A_11 : vector<160x128xf32>
    %mul3A_47 = arith.constant 5.000000e-01 : f32
    %mul3A_48 = vector.broadcast %mul3A_47 : f32 to vector<160x128xf32>
    %mul3A_49 = arith.mulf %mul3A_48, %mul3A_44 : vector<160x128xf32>
    %sub3A_50 = arith.subf %add3A_38, %mul3A_49 : vector<160x128xf32>
    %jit3A = arith.constant 0.000000e+00 : f32
    %jit3A_51 = arith.constant 8.000000e+02 : f32
    %max3A = vector.broadcast %jit3A : f32 to vector<160x128xf32>
    %max3A_52 = arith.maximumf %max3A, %sub3A_50 : vector<160x128xf32>
    %min3A_53 = vector.broadcast %jit3A_51 : f32 to vector<160x128xf32>
    %min3A_54 = arith.minimumf %min3A_53, %max3A_52 : vector<160x128xf32>
    %mul3A_55 = arith.constant 5.000000e-01 : f32
    %mul3A_56 = vector.broadcast %mul3A_55 : f32 to vector<160x128xf32>
    %mul3A_57 = arith.mulf %mul3A_56, %mul3A_46 : vector<160x128xf32>
    %sub3A_58 = arith.subf %add3A_43, %mul3A_57 : vector<160x128xf32>
    %jit3A_59 = arith.constant 0.000000e+00 : f32
    %jit3A_60 = arith.constant 8.000000e+02 : f32
    %max3A_61 = vector.broadcast %jit3A_59 : f32 to vector<160x128xf32>
    %max3A_62 = arith.maximumf %max3A_61, %sub3A_58 : vector<160x128xf32>
    %min3A_63 = vector.broadcast %jit3A_60 : f32 to vector<160x128xf32>
    %min3A_64 = arith.minimumf %min3A_63, %max3A_62 : vector<160x128xf32>
    %mul3A_65 = arith.constant 5.000000e-01 : f32
    %mul3A_66 = vector.broadcast %mul3A_65 : f32 to vector<160x128xf32>
    %mul3A_67 = arith.mulf %mul3A_66, %mul3A_44 : vector<160x128xf32>
    %add3A_68 = arith.addf %add3A_38, %mul3A_67 : vector<160x128xf32>
    %jit3A_69 = arith.constant 0.000000e+00 : f32
    %jit3A_70 = arith.constant 8.000000e+02 : f32
    %max3A_71 = vector.broadcast %jit3A_69 : f32 to vector<160x128xf32>
    %max3A_72 = arith.maximumf %max3A_71, %add3A_68 : vector<160x128xf32>
    %min3A_73 = vector.broadcast %jit3A_70 : f32 to vector<160x128xf32>
    %min3A_74 = arith.minimumf %min3A_73, %max3A_72 : vector<160x128xf32>
    %mul3A_75 = arith.constant 5.000000e-01 : f32
    %mul3A_76 = vector.broadcast %mul3A_75 : f32 to vector<160x128xf32>
    %mul3A_77 = arith.mulf %mul3A_76, %mul3A_46 : vector<160x128xf32>
    %add3A_78 = arith.addf %add3A_43, %mul3A_77 : vector<160x128xf32>
    %jit3A_79 = arith.constant 0.000000e+00 : f32
    %jit3A_80 = arith.constant 8.000000e+02 : f32
    %max3A_81 = vector.broadcast %jit3A_79 : f32 to vector<160x128xf32>
    %max3A_82 = arith.maximumf %max3A_81, %add3A_78 : vector<160x128xf32>
    %min3A_83 = vector.broadcast %jit3A_80 : f32 to vector<160x128xf32>
    %min3A_84 = arith.minimumf %min3A_83, %max3A_82 : vector<160x128xf32>
    %sub3A_85 = arith.subf %min3A_74, %min3A_54 : vector<160x128xf32>
    %ge3A = arith.constant 1.000000e-03 : f32
    %ge3A_86 = vector.broadcast %ge3A : f32 to vector<160x128xf32>
    %ge3A_87 = arith.cmpf oge, %sub3A_85, %ge3A_86 : vector<160x128xf32>
    %sub3A_88 = arith.subf %min3A_84, %min3A_64 : vector<160x128xf32>
    %ge3A_89 = arith.constant 1.000000e-03 : f32
    %ge3A_90 = vector.broadcast %ge3A_89 : f32 to vector<160x128xf32>
    %ge3A_91 = arith.cmpf oge, %sub3A_88, %ge3A_90 : vector<160x128xf32>
    %and3A = arith.andi %ge3A_87, %ge3A_91 : vector<160x128xi1>
    %get3A_92 = arith.constant 0 : index
    %get3A_93 = arith.constant 0 : index
    %get3A_94 = vector.load %arg8[%get3A_92, %get3A_93] : memref<160x128xf32, #tpu.memory_space<vmem>>, vector<160x128xf32>
    %jit3A_95 = arith.constant 0xFF800000 : f32
    %broadcast_in_dim3A = vector.broadcast %jit3A_95 : f32 to vector<160x128xf32>
    %select_n3A = arith.select %and3A, %get3A_94, %broadcast_in_dim3A : vector<160x128xi1>, vector<160x128xf32>
    %swap3A = arith.constant 0 : index
    %swap3A_96 = arith.constant 0 : index
    %swap3A_97 = vector.load %arg9[%swap3A, %swap3A_96] : memref<160x128xf32, #tpu.memory_space<vmem>>, vector<160x128xf32>
    tpu.vector_store %arg9[%swap3A, %swap3A_96], %min3A_54 {strides = array<i32>} : memref<160x128xf32, #tpu.memory_space<vmem>>, vector<160x128xf32>,
    %swap3A_98 = arith.constant 0 : index
    %swap3A_99 = arith.constant 0 : index
    %swap3A_100 = vector.load %arg10[%swap3A_98, %swap3A_99] : memref<160x128xf32, #tpu.memory_space<vmem>>, vector<160x128xf32>
    tpu.vector_store %arg10[%swap3A_98, %swap3A_99], %min3A_64 {strides = array<i32>} : memref<160x128xf32, #tpu.memory_space<vmem>>, vector<160x128xf32>,
    %swap3A_101 = arith.constant 0 : index
    %swap3A_102 = arith.constant 0 : index
    %swap3A_103 = vector.load %arg11[%swap3A_101, %swap3A_102] : memref<160x128xf32, #tpu.memory_space<vmem>>, vector<160x128xf32>
    tpu.vector_store %arg11[%swap3A_101, %swap3A_102], %min3A_74 {strides = array<i32>} : memref<160x128xf32, #tpu.memory_space<vmem>>, vector<160x128xf32>,
    %swap3A_104 = arith.constant 0 : index
    %swap3A_105 = arith.constant 0 : index
    %swap3A_106 = vector.load %arg12[%swap3A_104, %swap3A_105] : memref<160x128xf32, #tpu.memory_space<vmem>>, vector<160x128xf32>
    tpu.vector_store %arg12[%swap3A_104, %swap3A_105], %min3A_84 {strides = array<i32>} : memref<160x128xf32, #tpu.memory_space<vmem>>, vector<160x128xf32>,
    %swap3A_107 = arith.constant 0 : index
    %swap3A_108 = arith.constant 0 : index
    %swap3A_109 = vector.load %arg13[%swap3A_107, %swap3A_108] : memref<160x128xf32, #tpu.memory_space<vmem>>, vector<160x128xf32>
    tpu.vector_store %arg13[%swap3A_107, %swap3A_108], %select_n3A {strides = array<i32>} : memref<160x128xf32, #tpu.memory_space<vmem>>, vector<160x128xf32>,
    %bitcast_convert_type3A = tpu.bitcast %select_n3A : vector<160x128xf32> -> vector<160x128xi32>
    %ge3A_110 = arith.constant 0 : i32
    %ge3A_111 = vector.broadcast %ge3A_110 : i32 to vector<160x128xi32>
    %ge3A_112 = arith.cmpi sge, %bitcast_convert_type3A, %ge3A_111 : vector<160x128xi32>
    %not3A = arith.constant dense<-1> : vector<160x128xi32>
    %not3A_113 = arith.xori %bitcast_convert_type3A, %not3A : vector<160x128xi32>
    %xor3A = arith.constant -2147483648 : i32
    %xor3A_114 = vector.broadcast %xor3A : i32 to vector<160x128xi32>
    %xor3A_115 = arith.xori %not3A_113, %xor3A_114 : vector<160x128xi32>
    %select_n3A_116 = arith.select %ge3A_112, %bitcast_convert_type3A, %xor3A_115 : vector<160x128xi1>, vector<160x128xi32>
    %ge3A_117 = arith.constant 0 : i32
    %ge3A_118 = vector.broadcast %ge3A_117 : i32 to vector<160x128xi32>
    %ge3A_119 = arith.cmpi sge, %select_n3A_116, %ge3A_118 : vector<160x128xi32>
    %convert_element_type3A = arith.extui %ge3A_119 : vector<160x128xi1> to vector<160x128xi32>
    %convert_element_type3A_120 = arith.sitofp %convert_element_type3A : vector<160x128xi32> to vector<160x128xf32>
    %reduce_sum3A = vector.shape_cast %convert_element_type3A_120 : vector<160x128xf32> to vector<1x160x128xf32>
    %reduce_sum3A_121 = arith.constant dense<0.000000e+00> : vector<1xf32>
    %reduce_sum3A_122 = vector.multi_reduction <add>, %reduce_sum3A, %reduce_sum3A_121 [1, 2] : vector<1x160x128xf32> to vector<1xf32>
    %reduce_sum3A_123 = vector.shape_cast %reduce_sum3A_122 : vector<1xf32> to vector<1x1x1xf32>
    %reduce_sum3A_124 = vector.extract %reduce_sum3A_123[0, 0, 0] : f32 from vector<1x1x1xf32>
    %ge3A_125 = arith.constant 2.000000e+03 : f32
    %ge3A_126 = arith.cmpf oge, %reduce_sum3A_124, %ge3A_125 : f32
    %jit3A_127 = arith.constant 0 : i32
    %jit3A_128 = arith.constant -2147483648 : i32
    %select_n3A_129 = arith.select %ge3A_126, %jit3A_127, %jit3A_128 : i32
    %scan3A = arith.constant 0 : i32
    %scan3A_130 = arith.constant 31 : i32
    %scan3A_131 = arith.addi %scan3A, %scan3A_130 : i32
    %scan3A_132 = arith.constant 1 : i32
    %scan3A_133 = scf.for %scan3A_201 = %scan3A to %scan3A_131 step %scan3A_132 iter_args(%scan3A_202 = %select_n3A_129) -> (i32)  : i32 {
      %sub3A_203 = arith.constant 30 : i32
      %sub3A_204 = arith.subi %sub3A_203, %scan3A_201 : i32
      %shift_left3A = arith.constant 1 : i32
      %shift_left3A_205 = arith.shli %shift_left3A, %sub3A_204 : i32
      %or3A = arith.ori %scan3A_202, %shift_left3A_205 : i32
      %ge3A_206 = vector.broadcast %or3A : i32 to vector<160x128xi32>
      %ge3A_207 = arith.cmpi sge, %select_n3A_116, %ge3A_206 : vector<160x128xi32>
      %convert_element_type3A_208 = arith.extui %ge3A_207 : vector<160x128xi1> to vector<160x128xi32>
      %convert_element_type3A_209 = arith.sitofp %convert_element_type3A_208 : vector<160x128xi32> to vector<160x128xf32>
      %reduce_sum3A_210 = vector.shape_cast %convert_element_type3A_209 : vector<160x128xf32> to vector<1x160x128xf32>
      %reduce_sum3A_211 = arith.constant dense<0.000000e+00> : vector<1xf32>
      %reduce_sum3A_212 = vector.multi_reduction <add>, %reduce_sum3A_210, %reduce_sum3A_211 [1, 2] : vector<1x160x128xf32> to vector<1xf32>
      %reduce_sum3A_213 = vector.shape_cast %reduce_sum3A_212 : vector<1xf32> to vector<1x1x1xf32>
      %reduce_sum3A_214 = vector.extract %reduce_sum3A_213[0, 0, 0] : f32 from vector<1x1x1xf32>
      %ge3A_215 = arith.constant 2.000000e+03 : f32
      %ge3A_216 = arith.cmpf oge, %reduce_sum3A_214, %ge3A_215 : f32
      %select_n3A_217 = arith.select %ge3A_216, %or3A, %scan3A_202 : i32
      scf.yield %select_n3A_217 : i32
    }
    %scan3A_134 = arith.constant 31 : i32
    %gt3A = vector.broadcast %scan3A_133 : i32 to vector<160x128xi32>
    %gt3A_135 = arith.cmpi sgt, %select_n3A_116, %gt3A : vector<160x128xi32>
    %convert_element_type3A_136 = arith.extui %gt3A_135 : vector<160x128xi1> to vector<160x128xi32>
    %convert_element_type3A_137 = arith.sitofp %convert_element_type3A_136 : vector<160x128xi32> to vector<160x128xf32>
    %eq3A = vector.broadcast %scan3A_133 : i32 to vector<160x128xi32>
    %eq3A_138 = arith.cmpi eq, %select_n3A_116, %eq3A : vector<160x128xi32>
    %convert_element_type3A_139 = arith.extui %eq3A_138 : vector<160x128xi1> to vector<160x128xi32>
    %convert_element_type3A_140 = arith.sitofp %convert_element_type3A_139 : vector<160x128xi32> to vector<160x128xf32>
    %iota3A = tpu.iota {dimensions = array<i32: 0>} : vector<128x128xi32>
    %iota3A_141 = tpu.iota {dimensions = array<i32: 1>} : vector<128x128xi32>
    %lt3A = arith.cmpi slt, %iota3A, %iota3A_141 : vector<128x128xi32>
    %convert_element_type3A_142 = arith.extui %lt3A : vector<128x128xi1> to vector<128x128xi32>
    %convert_element_type3A_143 = arith.sitofp %convert_element_type3A_142 : vector<128x128xi32> to vector<128x128xf32>
    %iota3A_144 = tpu.iota {dimensions = array<i32: 0>} : vector<160x160xi32>
    %iota3A_145 = tpu.iota {dimensions = array<i32: 1>} : vector<160x160xi32>
    %lt3A_146 = arith.cmpi slt, %iota3A_145, %iota3A_144 : vector<160x160xi32>
    %convert_element_type3A_147 = arith.extui %lt3A_146 : vector<160x160xi1> to vector<160x160xi32>
    %convert_element_type3A_148 = arith.sitofp %convert_element_type3A_147 : vector<160x160xi32> to vector<160x160xf32>
    %dot_general3A = arith.constant dense<0.000000e+00> : vector<160x128xf32>
    %dot_general3A_149 = tpu.matmul %convert_element_type3A_137, %convert_element_type3A_143, %dot_general3A {dimension_numbers = #tpu.dot_dimension_numbers<[1], [0], [0], [1], [0, 0, 1, 1], [], []>, transpose_lhs_hint = false} : vector<160x128xf32>, vector<128x128xf32>, vector<160x128xf32> -> vector<160x128xf32>
    %reduce_sum3A_150 = arith.constant dense<0.000000e+00> : vector<160xf32>
    %reduce_sum3A_151 = vector.multi_reduction <add>, %convert_element_type3A_137, %reduce_sum3A_150 [1] : vector<160x128xf32> to vector<160xf32>
    %broadcast_in_dim3A_152 = vector.shape_cast %reduce_sum3A_151 : vector<160xf32> to vector<160x1xf32>
    %dot_general3A_153 = arith.constant dense<0.000000e+00> : vector<160x1xf32>
    %dot_general3A_154 = tpu.matmul %convert_element_type3A_148, %broadcast_in_dim3A_152, %dot_general3A_153 {dimension_numbers = #tpu.dot_dimension_numbers<[1], [0], [0], [1], [0, 0, 1, 1], [], []>, transpose_lhs_hint = false} : vector<160x160xf32>, vector<160x1xf32>, vector<160x1xf32> -> vector<160x1xf32>
    %add3A_155 = vector.broadcast %dot_general3A_154 : vector<160x1xf32> to vector<160x128xf32>
    %add3A_156 = arith.addf %add3A_155, %dot_general3A_149 : vector<160x128xf32>
    %dot_general3A_157 = arith.constant dense<0.000000e+00> : vector<160x128xf32>
    %dot_general3A_158 = tpu.matmul %convert_element_type3A_140, %convert_element_type3A_143, %dot_general3A_157 {dimension_numbers = #tpu.dot_dimension_numbers<[1], [0], [0], [1], [0, 0, 1, 1], [], []>, transpose_lhs_hint = false} : vector<160x128xf32>, vector<128x128xf32>, vector<160x128xf32> -> vector<160x128xf32>
    %reduce_sum3A_159 = arith.constant dense<0.000000e+00> : vector<160xf32>
    %reduce_sum3A_160 = vector.multi_reduction <add>, %convert_element_type3A_140, %reduce_sum3A_159 [1] : vector<160x128xf32> to vector<160xf32>
    %broadcast_in_dim3A_161 = vector.shape_cast %reduce_sum3A_160 : vector<160xf32> to vector<160x1xf32>
    %dot_general3A_162 = arith.constant dense<0.000000e+00> : vector<160x1xf32>
    %dot_general3A_163 = tpu.matmul %convert_element_type3A_148, %broadcast_in_dim3A_161, %dot_general3A_162 {dimension_numbers = #tpu.dot_dimension_numbers<[1], [0], [0], [1], [0, 0, 1, 1], [], []>, transpose_lhs_hint = false} : vector<160x160xf32>, vector<160x1xf32>, vector<160x1xf32> -> vector<160x1xf32>
    %add3A_164 = vector.broadcast %dot_general3A_163 : vector<160x1xf32> to vector<160x128xf32>
    %add3A_165 = arith.addf %add3A_164, %dot_general3A_158 : vector<160x128xf32>
    %reduce_sum3A_166 = vector.shape_cast %convert_element_type3A_137 : vector<160x128xf32> to vector<1x160x128xf32>
    %reduce_sum3A_167 = arith.constant dense<0.000000e+00> : vector<1xf32>
    %reduce_sum3A_168 = vector.multi_reduction <add>, %reduce_sum3A_166, %reduce_sum3A_167 [1, 2] : vector<1x160x128xf32> to vector<1xf32>
    %reduce_sum3A_169 = vector.shape_cast %reduce_sum3A_168 : vector<1xf32> to vector<1x1x1xf32>
    %reduce_sum3A_170 = vector.extract %reduce_sum3A_169[0, 0, 0] : f32 from vector<1x1x1xf32>
    %gt3A_171 = arith.constant 0.000000e+00 : f32
    %gt3A_172 = vector.broadcast %gt3A_171 : f32 to vector<160x128xf32>
    %gt3A_173 = arith.cmpf ogt, %convert_element_type3A_140, %gt3A_172 : vector<160x128xf32>
    %add3A_174 = vector.broadcast %reduce_sum3A_170 : f32 to vector<160x128xf32>
    %add3A_175 = arith.addf %add3A_174, %add3A_165 : vector<160x128xf32>
    %lt3A_176 = arith.constant 2.000000e+03 : f32
    %lt3A_177 = vector.broadcast %lt3A_176 : f32 to vector<160x128xf32>
    %lt3A_178 = arith.cmpf olt, %add3A_175, %lt3A_177 : vector<160x128xf32>
    %and3A_179 = arith.andi %gt3A_173, %lt3A_178 : vector<160x128xi1>
    %iota3A_180 = tpu.iota {dimensions = array<i32: 0>} : vector<160x128xi32>
    %mul3A_181 = arith.constant 128 : i32
    %mul3A_182 = vector.broadcast %mul3A_181 : i32 to vector<160x128xi32>
    %mul3A_183 = arith.muli %iota3A_180, %mul3A_182 : vector<160x128xi32>
    %iota3A_184 = tpu.iota {dimensions = array<i32: 1>} : vector<160x128xi32>
    %add3A_185 = arith.addi %mul3A_183, %iota3A_184 : vector<160x128xi32>
    %add3A_186 = arith.constant 2048 : i32
    %add3A_187 = vector.broadcast %add3A_186 : i32 to vector<160x128xi32>
    %add3A_188 = arith.addi %add3A_187, %add3A_185 : vector<160x128xi32>
    %convert_element_type3A_189 = arith.sitofp %add3A_188 : vector<160x128xi32> to vector<160x128xf32>
    %gt3A_190 = arith.constant 0.000000e+00 : f32
    %gt3A_191 = vector.broadcast %gt3A_190 : f32 to vector<160x128xf32>
    %gt3A_192 = arith.cmpf ogt, %convert_element_type3A_137, %gt3A_191 : vector<160x128xf32>
    %add3A_193 = vector.broadcast %reduce_sum3A_170 : f32 to vector<160x128xf32>
    %add3A_194 = arith.addf %add3A_193, %add3A_165 : vector<160x128xf32>
    %select_n3A_195 = arith.select %and3A_179, %add3A_194, %convert_element_type3A_189 : vector<160x128xi1>, vector<160x128xf32>
    %select_n3A_196 = arith.select %gt3A_192, %add3A_156, %select_n3A_195 : vector<160x128xi1>, vector<160x128xf32>
    %convert_element_type3A_197 = arith.fptosi %select_n3A_196 : vector<160x128xf32> to vector<160x128xi32>
    %swap3A_198 = arith.constant 0 : index
    %swap3A_199 = arith.constant 0 : index
    %swap3A_200 = vector.load %arg14[%swap3A_198, %swap3A_199] : memref<160x128xi32, #tpu.memory_space<vmem>>, vector<160x128xi32>
    tpu.vector_store %arg14[%swap3A_198, %swap3A_199], %convert_element_type3A_197 {strides = array<i32>} : memref<160x128xi32, #tpu.memory_space<vmem>>, vector<160x128xi32>,
    return
  }
}

module attributes {stable_mosaic.version = 14 : i64} {
  func.func @_nms_body(%arg0: memref<2048x1xf32, #tpu.memory_space<vmem>>, %arg1: memref<2048x1xf32, #tpu.memory_space<vmem>>, %arg2: memref<2048x1xf32, #tpu.memory_space<vmem>>, %arg3: memref<2048x1xf32, #tpu.memory_space<vmem>>, %arg4: memref<2048x1xf32, #tpu.memory_space<vmem>>, %arg5: memref<1x2048xf32, #tpu.memory_space<vmem>>, %arg6: memref<1x2048xf32, #tpu.memory_space<vmem>>, %arg7: memref<1x2048xf32, #tpu.memory_space<vmem>>, %arg8: memref<1x2048xf32, #tpu.memory_space<vmem>>, %arg9: memref<1x2048xf32, #tpu.memory_space<vmem>>, %arg10: memref<1x2048xi32, #tpu.memory_space<vmem>>, %arg11: memref<1x2048xf32, #tpu.memory_space<vmem>>, %arg12: memref<1x2048xf32, #tpu.memory_space<vmem>>, %arg13: memref<1x2048xf32, #tpu.memory_space<vmem>>, %arg14: memref<1x2048xf32, #tpu.memory_space<vmem>>, %arg15: memref<1x2048xf32, #tpu.memory_space<vmem>>, %arg16: memref<2048x2048xbf16, #tpu.memory_space<vmem>>, %arg17: memref<2048x2048xbf16, #tpu.memory_space<vmem>>) attributes {dimension_semantics = [], scalar_prefetch = 0 : i64, scratch_operands = 2 : i64, tpu.core_type = #tpu.core_type<tc>} {
    %iota3A = tpu.iota {dimensions = array<i32: 1>} : vector<1x2048xi32>
    %lt3A = arith.constant 2000 : i32
    %lt3A_0 = vector.broadcast %lt3A : i32 to vector<1x2048xi32>
    %lt3A_1 = arith.cmpi slt, %iota3A, %lt3A_0 : vector<1x2048xi32>
    %get3A = arith.constant 0 : index
    %get3A_2 = arith.constant 0 : index
    %get3A_3 = vector.load %arg9[%get3A, %get3A_2] : memref<1x2048xf32, #tpu.memory_space<vmem>>, vector<1x2048xf32>
    %jit3A = arith.constant 0xFF800000 : f32
    %broadcast_in_dim3A = vector.broadcast %jit3A : f32 to vector<1x2048xf32>
    %select_n3A = arith.select %lt3A_1, %get3A_3, %broadcast_in_dim3A : vector<1x2048xi1>, vector<1x2048xf32>
    %get3A_4 = arith.constant 0 : index
    %get3A_5 = arith.constant 0 : index
    %get3A_6 = vector.load %arg5[%get3A_4, %get3A_5] : memref<1x2048xf32, #tpu.memory_space<vmem>>, vector<1x2048xf32>
    %jit3A_7 = arith.constant 0.000000e+00 : f32
    %broadcast_in_dim3A_8 = vector.broadcast %jit3A_7 : f32 to vector<1x2048xf32>
    %select_n3A_9 = arith.select %lt3A_1, %get3A_6, %broadcast_in_dim3A_8 : vector<1x2048xi1>, vector<1x2048xf32>
    %get3A_10 = arith.constant 0 : index
    %get3A_11 = arith.constant 0 : index
    %get3A_12 = vector.load %arg6[%get3A_10, %get3A_11] : memref<1x2048xf32, #tpu.memory_space<vmem>>, vector<1x2048xf32>
    %jit3A_13 = arith.constant 0.000000e+00 : f32
    %broadcast_in_dim3A_14 = vector.broadcast %jit3A_13 : f32 to vector<1x2048xf32>
    %select_n3A_15 = arith.select %lt3A_1, %get3A_12, %broadcast_in_dim3A_14 : vector<1x2048xi1>, vector<1x2048xf32>
    %get3A_16 = arith.constant 0 : index
    %get3A_17 = arith.constant 0 : index
    %get3A_18 = vector.load %arg7[%get3A_16, %get3A_17] : memref<1x2048xf32, #tpu.memory_space<vmem>>, vector<1x2048xf32>
    %jit3A_19 = arith.constant 0.000000e+00 : f32
    %broadcast_in_dim3A_20 = vector.broadcast %jit3A_19 : f32 to vector<1x2048xf32>
    %select_n3A_21 = arith.select %lt3A_1, %get3A_18, %broadcast_in_dim3A_20 : vector<1x2048xi1>, vector<1x2048xf32>
    %get3A_22 = arith.constant 0 : index
    %get3A_23 = arith.constant 0 : index
    %get3A_24 = vector.load %arg8[%get3A_22, %get3A_23] : memref<1x2048xf32, #tpu.memory_space<vmem>>, vector<1x2048xf32>
    %jit3A_25 = arith.constant 0.000000e+00 : f32
    %broadcast_in_dim3A_26 = vector.broadcast %jit3A_25 : f32 to vector<1x2048xf32>
    %select_n3A_27 = arith.select %lt3A_1, %get3A_24, %broadcast_in_dim3A_26 : vector<1x2048xi1>, vector<1x2048xf32>
    %bitcast_convert_type3A = tpu.bitcast %select_n3A : vector<1x2048xf32> -> vector<1x2048xi32>
    %ge3A = arith.constant 0 : i32
    %ge3A_28 = vector.broadcast %ge3A : i32 to vector<1x2048xi32>
    %ge3A_29 = arith.cmpi sge, %bitcast_convert_type3A, %ge3A_28 : vector<1x2048xi32>
    %not3A = arith.constant dense<-1> : vector<1x2048xi32>
    %not3A_30 = arith.xori %bitcast_convert_type3A, %not3A : vector<1x2048xi32>
    %xor3A = arith.constant -2147483648 : i32
    %xor3A_31 = vector.broadcast %xor3A : i32 to vector<1x2048xi32>
    %xor3A_32 = arith.xori %not3A_30, %xor3A_31 : vector<1x2048xi32>
    %select_n3A_33 = arith.select %ge3A_29, %bitcast_convert_type3A, %xor3A_32 : vector<1x2048xi1>, vector<1x2048xi32>
    %jit3A_34 = arith.constant -2147483648 : i32
    %broadcast_in_dim3A_35 = vector.broadcast %jit3A_34 : i32 to vector<1x2048xi32>
    %select_n3A_36 = arith.select %lt3A_1, %select_n3A_33, %broadcast_in_dim3A_35 : vector<1x2048xi1>, vector<1x2048xi32>
    %sub3A = arith.subf %select_n3A_21, %select_n3A_9 : vector<1x2048xf32>
    %sub3A_37 = arith.subf %select_n3A_27, %select_n3A_15 : vector<1x2048xf32>
    %mul3A = arith.mulf %sub3A, %sub3A_37 : vector<1x2048xf32>
    %iota3A_38 = tpu.iota {dimensions = array<i32: 1>} : vector<256x2048xi32>
    %iota3A_39 = tpu.iota {dimensions = array<i32: 0>} : vector<256x2048xi32>
    %add3A = arith.constant 0 : i32
    %add3A_40 = vector.broadcast %add3A : i32 to vector<256x2048xi32>
    %add3A_41 = arith.addi %add3A_40, %iota3A_39 : vector<256x2048xi32>
    %iota3A_42 = tpu.iota {dimensions = array<i32: 0>} : vector<256x1xi32>
    %add3A_43 = arith.constant 0 : i32
    %add3A_44 = vector.broadcast %add3A_43 : i32 to vector<256x1xi32>
    %add3A_45 = arith.addi %add3A_44, %iota3A_42 : vector<256x1xi32>
    %lt3A_46 = arith.constant 2000 : i32
    %lt3A_47 = vector.broadcast %lt3A_46 : i32 to vector<256x1xi32>
    %lt3A_48 = arith.cmpi slt, %add3A_45, %lt3A_47 : vector<256x1xi32>
    %get3A_49 = arith.constant 0 : index
    %get3A_50 = arith.constant 0 : index
    %get3A_51 = vector.load %arg0[%get3A_49, %get3A_50] : memref<2048x1xf32, #tpu.memory_space<vmem>>, vector<256x1xf32>
    %jit3A_52 = arith.constant 0.000000e+00 : f32
    %broadcast_in_dim3A_53 = vector.broadcast %jit3A_52 : f32 to vector<256x1xf32>
    %select_n3A_54 = arith.select %lt3A_48, %get3A_51, %broadcast_in_dim3A_53 : vector<256x1xi1>, vector<256x1xf32>
    %get3A_55 = arith.constant 0 : index
    %get3A_56 = arith.constant 0 : index
    %get3A_57 = vector.load %arg1[%get3A_55, %get3A_56] : memref<2048x1xf32, #tpu.memory_space<vmem>>, vector<256x1xf32>
    %jit3A_58 = arith.constant 0.000000e+00 : f32
    %broadcast_in_dim3A_59 = vector.broadcast %jit3A_58 : f32 to vector<256x1xf32>
    %select_n3A_60 = arith.select %lt3A_48, %get3A_57, %broadcast_in_dim3A_59 : vector<256x1xi1>, vector<256x1xf32>
    %get3A_61 = arith.constant 0 : index
    %get3A_62 = arith.constant 0 : index
    %get3A_63 = vector.load %arg2[%get3A_61, %get3A_62] : memref<2048x1xf32, #tpu.memory_space<vmem>>, vector<256x1xf32>
    %jit3A_64 = arith.constant 0.000000e+00 : f32
    %broadcast_in_dim3A_65 = vector.broadcast %jit3A_64 : f32 to vector<256x1xf32>
    %select_n3A_66 = arith.select %lt3A_48, %get3A_63, %broadcast_in_dim3A_65 : vector<256x1xi1>, vector<256x1xf32>
    %get3A_67 = arith.constant 0 : index
    %get3A_68 = arith.constant 0 : index
    %get3A_69 = vector.load %arg3[%get3A_67, %get3A_68] : memref<2048x1xf32, #tpu.memory_space<vmem>>, vector<256x1xf32>
    %jit3A_70 = arith.constant 0.000000e+00 : f32
    %broadcast_in_dim3A_71 = vector.broadcast %jit3A_70 : f32 to vector<256x1xf32>
    %select_n3A_72 = arith.select %lt3A_48, %get3A_69, %broadcast_in_dim3A_71 : vector<256x1xi1>, vector<256x1xf32>
    %get3A_73 = arith.constant 0 : index
    %get3A_74 = arith.constant 0 : index
    %get3A_75 = vector.load %arg4[%get3A_73, %get3A_74] : memref<2048x1xf32, #tpu.memory_space<vmem>>, vector<256x1xf32>
    %jit3A_76 = arith.constant 0xFF800000 : f32
    %broadcast_in_dim3A_77 = vector.broadcast %jit3A_76 : f32 to vector<256x1xf32>
    %select_n3A_78 = arith.select %lt3A_48, %get3A_75, %broadcast_in_dim3A_77 : vector<256x1xi1>, vector<256x1xf32>
    %bitcast_convert_type3A_79 = tpu.bitcast %select_n3A_78 : vector<256x1xf32> -> vector<256x1xi32>
    %ge3A_80 = arith.constant 0 : i32
    %ge3A_81 = vector.broadcast %ge3A_80 : i32 to vector<256x1xi32>
    %ge3A_82 = arith.cmpi sge, %bitcast_convert_type3A_79, %ge3A_81 : vector<256x1xi32>
    %not3A_83 = arith.constant dense<-1> : vector<256x1xi32>
    %not3A_84 = arith.xori %bitcast_convert_type3A_79, %not3A_83 : vector<256x1xi32>
    %xor3A_85 = arith.constant -2147483648 : i32
    %xor3A_86 = vector.broadcast %xor3A_85 : i32 to vector<256x1xi32>
    %xor3A_87 = arith.xori %not3A_84, %xor3A_86 : vector<256x1xi32>
    %select_n3A_88 = arith.select %ge3A_82, %bitcast_convert_type3A_79, %xor3A_87 : vector<256x1xi1>, vector<256x1xi32>
    %jit3A_89 = arith.constant -2147483648 : i32
    %broadcast_in_dim3A_90 = vector.broadcast %jit3A_89 : i32 to vector<256x1xi32>
    %select_n3A_91 = arith.select %lt3A_48, %select_n3A_88, %broadcast_in_dim3A_90 : vector<256x1xi1>, vector<256x1xi32>
    %sub3A_92 = arith.subf %select_n3A_66, %select_n3A_54 : vector<256x1xf32>
    %sub3A_93 = arith.subf %select_n3A_72, %select_n3A_60 : vector<256x1xf32>
    %mul3A_94 = arith.mulf %sub3A_92, %sub3A_93 : vector<256x1xf32>
    %min3A = vector.broadcast %select_n3A_66 : vector<256x1xf32> to vector<256x2048xf32>
    %min3A_95 = vector.broadcast %select_n3A_21 : vector<1x2048xf32> to vector<256x2048xf32>
    %min3A_96 = arith.minimumf %min3A, %min3A_95 : vector<256x2048xf32>
    %max3A = vector.broadcast %select_n3A_54 : vector<256x1xf32> to vector<256x2048xf32>
    %max3A_97 = vector.broadcast %select_n3A_9 : vector<1x2048xf32> to vector<256x2048xf32>
    %max3A_98 = arith.maximumf %max3A, %max3A_97 : vector<256x2048xf32>
    %sub3A_99 = arith.subf %min3A_96, %max3A_98 : vector<256x2048xf32>
    %jit3A_100 = arith.constant 0.000000e+00 : f32
    %max3A_101 = vector.broadcast %jit3A_100 : f32 to vector<256x2048xf32>
    %max3A_102 = arith.maximumf %max3A_101, %sub3A_99 : vector<256x2048xf32>
    %min3A_103 = vector.broadcast %select_n3A_72 : vector<256x1xf32> to vector<256x2048xf32>
    %min3A_104 = vector.broadcast %select_n3A_27 : vector<1x2048xf32> to vector<256x2048xf32>
    %min3A_105 = arith.minimumf %min3A_103, %min3A_104 : vector<256x2048xf32>
    %max3A_106 = vector.broadcast %select_n3A_60 : vector<256x1xf32> to vector<256x2048xf32>
    %max3A_107 = vector.broadcast %select_n3A_15 : vector<1x2048xf32> to vector<256x2048xf32>
    %max3A_108 = arith.maximumf %max3A_106, %max3A_107 : vector<256x2048xf32>
    %sub3A_109 = arith.subf %min3A_105, %max3A_108 : vector<256x2048xf32>
    %jit3A_110 = arith.constant 0.000000e+00 : f32
    %max3A_111 = vector.broadcast %jit3A_110 : f32 to vector<256x2048xf32>
    %max3A_112 = arith.maximumf %max3A_111, %sub3A_109 : vector<256x2048xf32>
    %mul3A_113 = arith.mulf %max3A_102, %max3A_112 : vector<256x2048xf32>
    %add3A_114 = vector.broadcast %mul3A_94 : vector<256x1xf32> to vector<256x2048xf32>
    %add3A_115 = vector.broadcast %mul3A : vector<1x2048xf32> to vector<256x2048xf32>
    %add3A_116 = arith.addf %add3A_114, %add3A_115 : vector<256x2048xf32>
    %sub3A_117 = arith.subf %add3A_116, %mul3A_113 : vector<256x2048xf32>
    %add3A_118 = arith.constant 9.99999971E-10 : f32
    %add3A_119 = vector.broadcast %add3A_118 : f32 to vector<256x2048xf32>
    %add3A_120 = arith.addf %sub3A_117, %add3A_119 : vector<256x2048xf32>
    %div3A = arith.divf %mul3A_113, %add3A_120 : vector<256x2048xf32>
    %gt3A = vector.broadcast %select_n3A_91 : vector<256x1xi32> to vector<256x2048xi32>
    %gt3A_121 = vector.broadcast %select_n3A_36 : vector<1x2048xi32> to vector<256x2048xi32>
    %gt3A_122 = arith.cmpi sgt, %gt3A, %gt3A_121 : vector<256x2048xi32>
    %eq3A = vector.broadcast %select_n3A_91 : vector<256x1xi32> to vector<256x2048xi32>
    %eq3A_123 = vector.broadcast %select_n3A_36 : vector<1x2048xi32> to vector<256x2048xi32>
    %eq3A_124 = arith.cmpi eq, %eq3A, %eq3A_123 : vector<256x2048xi32>
    %lt3A_125 = arith.cmpi slt, %add3A_41, %iota3A_38 : vector<256x2048xi32>
    %and3A = arith.andi %eq3A_124, %lt3A_125 : vector<256x2048xi1>
    %or3A = arith.ori %gt3A_122, %and3A : vector<256x2048xi1>
    %convert_element_type3A = arith.extui %or3A : vector<256x2048xi1> to vector<256x2048xi32>
    %convert_element_type3A_126 = arith.sitofp %convert_element_type3A : vector<256x2048xi32> to vector<256x2048xf32>
    %convert_element_type3A_127 = arith.truncf %convert_element_type3A_126 : vector<256x2048xf32> to vector<256x2048xbf16>
    %swap3A = arith.constant 0 : index
    %swap3A_128 = arith.constant 0 : index
    %swap3A_129 = vector.load %arg17[%swap3A, %swap3A_128] : memref<2048x2048xbf16, #tpu.memory_space<vmem>>, vector<256x2048xbf16>
    tpu.vector_store %arg17[%swap3A, %swap3A_128], %convert_element_type3A_127 {strides = array<i32>} : memref<2048x2048xbf16, #tpu.memory_space<vmem>>, vector<256x2048xbf16>,
    %gt3A_130 = arith.constant 0.699999988 : f32
    %gt3A_131 = vector.broadcast %gt3A_130 : f32 to vector<256x2048xf32>
    %gt3A_132 = arith.cmpf ogt, %div3A, %gt3A_131 : vector<256x2048xf32>
    %and3A_133 = arith.andi %or3A, %gt3A_132 : vector<256x2048xi1>
    %convert_element_type3A_134 = arith.extui %and3A_133 : vector<256x2048xi1> to vector<256x2048xi32>
    %convert_element_type3A_135 = arith.sitofp %convert_element_type3A_134 : vector<256x2048xi32> to vector<256x2048xf32>
    %convert_element_type3A_136 = arith.truncf %convert_element_type3A_135 : vector<256x2048xf32> to vector<256x2048xbf16>
    %swap3A_137 = arith.constant 0 : index
    %swap3A_138 = arith.constant 0 : index
    %swap3A_139 = vector.load %arg16[%swap3A_137, %swap3A_138] : memref<2048x2048xbf16, #tpu.memory_space<vmem>>, vector<256x2048xbf16>
    tpu.vector_store %arg16[%swap3A_137, %swap3A_138], %convert_element_type3A_136 {strides = array<i32>} : memref<2048x2048xbf16, #tpu.memory_space<vmem>>, vector<256x2048xbf16>,
    %iota3A_140 = tpu.iota {dimensions = array<i32: 0>} : vector<256x2048xi32>
    %add3A_141 = arith.constant 256 : i32
    %add3A_142 = vector.broadcast %add3A_141 : i32 to vector<256x2048xi32>
    %add3A_143 = arith.addi %add3A_142, %iota3A_140 : vector<256x2048xi32>
    %iota3A_144 = tpu.iota {dimensions = array<i32: 0>} : vector<256x1xi32>
    %add3A_145 = arith.constant 256 : i32
    %add3A_146 = vector.broadcast %add3A_145 : i32 to vector<256x1xi32>
    %add3A_147 = arith.addi %add3A_146, %iota3A_144 : vector<256x1xi32>
    %lt3A_148 = arith.constant 2000 : i32
    %lt3A_149 = vector.broadcast %lt3A_148 : i32 to vector<256x1xi32>
    %lt3A_150 = arith.cmpi slt, %add3A_147, %lt3A_149 : vector<256x1xi32>
    %get3A_151 = arith.constant 256 : index
    %get3A_152 = arith.constant 0 : index
    %get3A_153 = vector.load %arg0[%get3A_151, %get3A_152] : memref<2048x1xf32, #tpu.memory_space<vmem>>, vector<256x1xf32>
    %jit3A_154 = arith.constant 0.000000e+00 : f32
    %broadcast_in_dim3A_155 = vector.broadcast %jit3A_154 : f32 to vector<256x1xf32>
    %select_n3A_156 = arith.select %lt3A_150, %get3A_153, %broadcast_in_dim3A_155 : vector<256x1xi1>, vector<256x1xf32>
    %get3A_157 = arith.constant 256 : index
    %get3A_158 = arith.constant 0 : index
    %get3A_159 = vector.load %arg1[%get3A_157, %get3A_158] : memref<2048x1xf32, #tpu.memory_space<vmem>>, vector<256x1xf32>
    %jit3A_160 = arith.constant 0.000000e+00 : f32
    %broadcast_in_dim3A_161 = vector.broadcast %jit3A_160 : f32 to vector<256x1xf32>
    %select_n3A_162 = arith.select %lt3A_150, %get3A_159, %broadcast_in_dim3A_161 : vector<256x1xi1>, vector<256x1xf32>
    %get3A_163 = arith.constant 256 : index
    %get3A_164 = arith.constant 0 : index
    %get3A_165 = vector.load %arg2[%get3A_163, %get3A_164] : memref<2048x1xf32, #tpu.memory_space<vmem>>, vector<256x1xf32>
    %jit3A_166 = arith.constant 0.000000e+00 : f32
    %broadcast_in_dim3A_167 = vector.broadcast %jit3A_166 : f32 to vector<256x1xf32>
    %select_n3A_168 = arith.select %lt3A_150, %get3A_165, %broadcast_in_dim3A_167 : vector<256x1xi1>, vector<256x1xf32>
    %get3A_169 = arith.constant 256 : index
    %get3A_170 = arith.constant 0 : index
    %get3A_171 = vector.load %arg3[%get3A_169, %get3A_170] : memref<2048x1xf32, #tpu.memory_space<vmem>>, vector<256x1xf32>
    %jit3A_172 = arith.constant 0.000000e+00 : f32
    %broadcast_in_dim3A_173 = vector.broadcast %jit3A_172 : f32 to vector<256x1xf32>
    %select_n3A_174 = arith.select %lt3A_150, %get3A_171, %broadcast_in_dim3A_173 : vector<256x1xi1>, vector<256x1xf32>
    %get3A_175 = arith.constant 256 : index
    %get3A_176 = arith.constant 0 : index
    %get3A_177 = vector.load %arg4[%get3A_175, %get3A_176] : memref<2048x1xf32, #tpu.memory_space<vmem>>, vector<256x1xf32>
    %jit3A_178 = arith.constant 0xFF800000 : f32
    %broadcast_in_dim3A_179 = vector.broadcast %jit3A_178 : f32 to vector<256x1xf32>
    %select_n3A_180 = arith.select %lt3A_150, %get3A_177, %broadcast_in_dim3A_179 : vector<256x1xi1>, vector<256x1xf32>
    %bitcast_convert_type3A_181 = tpu.bitcast %select_n3A_180 : vector<256x1xf32> -> vector<256x1xi32>
    %ge3A_182 = arith.constant 0 : i32
    %ge3A_183 = vector.broadcast %ge3A_182 : i32 to vector<256x1xi32>
    %ge3A_184 = arith.cmpi sge, %bitcast_convert_type3A_181, %ge3A_183 : vector<256x1xi32>
    %not3A_185 = arith.constant dense<-1> : vector<256x1xi32>
    %not3A_186 = arith.xori %bitcast_convert_type3A_181, %not3A_185 : vector<256x1xi32>
    %xor3A_187 = arith.constant -2147483648 : i32
    %xor3A_188 = vector.broadcast %xor3A_187 : i32 to vector<256x1xi32>
    %xor3A_189 = arith.xori %not3A_186, %xor3A_188 : vector<256x1xi32>
    %select_n3A_190 = arith.select %ge3A_184, %bitcast_convert_type3A_181, %xor3A_189 : vector<256x1xi1>, vector<256x1xi32>
    %jit3A_191 = arith.constant -2147483648 : i32
    %broadcast_in_dim3A_192 = vector.broadcast %jit3A_191 : i32 to vector<256x1xi32>
    %select_n3A_193 = arith.select %lt3A_150, %select_n3A_190, %broadcast_in_dim3A_192 : vector<256x1xi1>, vector<256x1xi32>
    %sub3A_194 = arith.subf %select_n3A_168, %select_n3A_156 : vector<256x1xf32>
    %sub3A_195 = arith.subf %select_n3A_174, %select_n3A_162 : vector<256x1xf32>
    %mul3A_196 = arith.mulf %sub3A_194, %sub3A_195 : vector<256x1xf32>
    %min3A_197 = vector.broadcast %select_n3A_168 : vector<256x1xf32> to vector<256x2048xf32>
    %min3A_198 = vector.broadcast %select_n3A_21 : vector<1x2048xf32> to vector<256x2048xf32>
    %min3A_199 = arith.minimumf %min3A_197, %min3A_198 : vector<256x2048xf32>
    %max3A_200 = vector.broadcast %select_n3A_156 : vector<256x1xf32> to vector<256x2048xf32>
    %max3A_201 = vector.broadcast %select_n3A_9 : vector<1x2048xf32> to vector<256x2048xf32>
    %max3A_202 = arith.maximumf %max3A_200, %max3A_201 : vector<256x2048xf32>
    %sub3A_203 = arith.subf %min3A_199, %max3A_202 : vector<256x2048xf32>
    %jit3A_204 = arith.constant 0.000000e+00 : f32
    %max3A_205 = vector.broadcast %jit3A_204 : f32 to vector<256x2048xf32>
    %max3A_206 = arith.maximumf %max3A_205, %sub3A_203 : vector<256x2048xf32>
    %min3A_207 = vector.broadcast %select_n3A_174 : vector<256x1xf32> to vector<256x2048xf32>
    %min3A_208 = vector.broadcast %select_n3A_27 : vector<1x2048xf32> to vector<256x2048xf32>
    %min3A_209 = arith.minimumf %min3A_207, %min3A_208 : vector<256x2048xf32>
    %max3A_210 = vector.broadcast %select_n3A_162 : vector<256x1xf32> to vector<256x2048xf32>
    %max3A_211 = vector.broadcast %select_n3A_15 : vector<1x2048xf32> to vector<256x2048xf32>
    %max3A_212 = arith.maximumf %max3A_210, %max3A_211 : vector<256x2048xf32>
    %sub3A_213 = arith.subf %min3A_209, %max3A_212 : vector<256x2048xf32>
    %jit3A_214 = arith.constant 0.000000e+00 : f32
    %max3A_215 = vector.broadcast %jit3A_214 : f32 to vector<256x2048xf32>
    %max3A_216 = arith.maximumf %max3A_215, %sub3A_213 : vector<256x2048xf32>
    %mul3A_217 = arith.mulf %max3A_206, %max3A_216 : vector<256x2048xf32>
    %add3A_218 = vector.broadcast %mul3A_196 : vector<256x1xf32> to vector<256x2048xf32>
    %add3A_219 = vector.broadcast %mul3A : vector<1x2048xf32> to vector<256x2048xf32>
    %add3A_220 = arith.addf %add3A_218, %add3A_219 : vector<256x2048xf32>
    %sub3A_221 = arith.subf %add3A_220, %mul3A_217 : vector<256x2048xf32>
    %add3A_222 = arith.constant 9.99999971E-10 : f32
    %add3A_223 = vector.broadcast %add3A_222 : f32 to vector<256x2048xf32>
    %add3A_224 = arith.addf %sub3A_221, %add3A_223 : vector<256x2048xf32>
    %div3A_225 = arith.divf %mul3A_217, %add3A_224 : vector<256x2048xf32>
    %gt3A_226 = vector.broadcast %select_n3A_193 : vector<256x1xi32> to vector<256x2048xi32>
    %gt3A_227 = vector.broadcast %select_n3A_36 : vector<1x2048xi32> to vector<256x2048xi32>
    %gt3A_228 = arith.cmpi sgt, %gt3A_226, %gt3A_227 : vector<256x2048xi32>
    %eq3A_229 = vector.broadcast %select_n3A_193 : vector<256x1xi32> to vector<256x2048xi32>
    %eq3A_230 = vector.broadcast %select_n3A_36 : vector<1x2048xi32> to vector<256x2048xi32>
    %eq3A_231 = arith.cmpi eq, %eq3A_229, %eq3A_230 : vector<256x2048xi32>
    %lt3A_232 = arith.cmpi slt, %add3A_143, %iota3A_38 : vector<256x2048xi32>
    %and3A_233 = arith.andi %eq3A_231, %lt3A_232 : vector<256x2048xi1>
    %or3A_234 = arith.ori %gt3A_228, %and3A_233 : vector<256x2048xi1>
    %convert_element_type3A_235 = arith.extui %or3A_234 : vector<256x2048xi1> to vector<256x2048xi32>
    %convert_element_type3A_236 = arith.sitofp %convert_element_type3A_235 : vector<256x2048xi32> to vector<256x2048xf32>
    %convert_element_type3A_237 = arith.truncf %convert_element_type3A_236 : vector<256x2048xf32> to vector<256x2048xbf16>
    %swap3A_238 = arith.constant 256 : index
    %swap3A_239 = arith.constant 0 : index
    %swap3A_240 = vector.load %arg17[%swap3A_238, %swap3A_239] : memref<2048x2048xbf16, #tpu.memory_space<vmem>>, vector<256x2048xbf16>
    tpu.vector_store %arg17[%swap3A_238, %swap3A_239], %convert_element_type3A_237 {strides = array<i32>} : memref<2048x2048xbf16, #tpu.memory_space<vmem>>, vector<256x2048xbf16>,
    %gt3A_241 = arith.constant 0.699999988 : f32
    %gt3A_242 = vector.broadcast %gt3A_241 : f32 to vector<256x2048xf32>
    %gt3A_243 = arith.cmpf ogt, %div3A_225, %gt3A_242 : vector<256x2048xf32>
    %and3A_244 = arith.andi %or3A_234, %gt3A_243 : vector<256x2048xi1>
    %convert_element_type3A_245 = arith.extui %and3A_244 : vector<256x2048xi1> to vector<256x2048xi32>
    %convert_element_type3A_246 = arith.sitofp %convert_element_type3A_245 : vector<256x2048xi32> to vector<256x2048xf32>
    %convert_element_type3A_247 = arith.truncf %convert_element_type3A_246 : vector<256x2048xf32> to vector<256x2048xbf16>
    %swap3A_248 = arith.constant 256 : index
    %swap3A_249 = arith.constant 0 : index
    %swap3A_250 = vector.load %arg16[%swap3A_248, %swap3A_249] : memref<2048x2048xbf16, #tpu.memory_space<vmem>>, vector<256x2048xbf16>
    tpu.vector_store %arg16[%swap3A_248, %swap3A_249], %convert_element_type3A_247 {strides = array<i32>} : memref<2048x2048xbf16, #tpu.memory_space<vmem>>, vector<256x2048xbf16>,
    %iota3A_251 = tpu.iota {dimensions = array<i32: 0>} : vector<256x2048xi32>
    %add3A_252 = arith.constant 512 : i32
    %add3A_253 = vector.broadcast %add3A_252 : i32 to vector<256x2048xi32>
    %add3A_254 = arith.addi %add3A_253, %iota3A_251 : vector<256x2048xi32>
    %iota3A_255 = tpu.iota {dimensions = array<i32: 0>} : vector<256x1xi32>
    %add3A_256 = arith.constant 512 : i32
    %add3A_257 = vector.broadcast %add3A_256 : i32 to vector<256x1xi32>
    %add3A_258 = arith.addi %add3A_257, %iota3A_255 : vector<256x1xi32>
    %lt3A_259 = arith.constant 2000 : i32
    %lt3A_260 = vector.broadcast %lt3A_259 : i32 to vector<256x1xi32>
    %lt3A_261 = arith.cmpi slt, %add3A_258, %lt3A_260 : vector<256x1xi32>
    %get3A_262 = arith.constant 512 : index
    %get3A_263 = arith.constant 0 : index
    %get3A_264 = vector.load %arg0[%get3A_262, %get3A_263] : memref<2048x1xf32, #tpu.memory_space<vmem>>, vector<256x1xf32>
    %jit3A_265 = arith.constant 0.000000e+00 : f32
    %broadcast_in_dim3A_266 = vector.broadcast %jit3A_265 : f32 to vector<256x1xf32>
    %select_n3A_267 = arith.select %lt3A_261, %get3A_264, %broadcast_in_dim3A_266 : vector<256x1xi1>, vector<256x1xf32>
    %get3A_268 = arith.constant 512 : index
    %get3A_269 = arith.constant 0 : index
    %get3A_270 = vector.load %arg1[%get3A_268, %get3A_269] : memref<2048x1xf32, #tpu.memory_space<vmem>>, vector<256x1xf32>
    %jit3A_271 = arith.constant 0.000000e+00 : f32
    %broadcast_in_dim3A_272 = vector.broadcast %jit3A_271 : f32 to vector<256x1xf32>
    %select_n3A_273 = arith.select %lt3A_261, %get3A_270, %broadcast_in_dim3A_272 : vector<256x1xi1>, vector<256x1xf32>
    %get3A_274 = arith.constant 512 : index
    %get3A_275 = arith.constant 0 : index
    %get3A_276 = vector.load %arg2[%get3A_274, %get3A_275] : memref<2048x1xf32, #tpu.memory_space<vmem>>, vector<256x1xf32>
    %jit3A_277 = arith.constant 0.000000e+00 : f32
    %broadcast_in_dim3A_278 = vector.broadcast %jit3A_277 : f32 to vector<256x1xf32>
    %select_n3A_279 = arith.select %lt3A_261, %get3A_276, %broadcast_in_dim3A_278 : vector<256x1xi1>, vector<256x1xf32>
    %get3A_280 = arith.constant 512 : index
    %get3A_281 = arith.constant 0 : index
    %get3A_282 = vector.load %arg3[%get3A_280, %get3A_281] : memref<2048x1xf32, #tpu.memory_space<vmem>>, vector<256x1xf32>
    %jit3A_283 = arith.constant 0.000000e+00 : f32
    %broadcast_in_dim3A_284 = vector.broadcast %jit3A_283 : f32 to vector<256x1xf32>
    %select_n3A_285 = arith.select %lt3A_261, %get3A_282, %broadcast_in_dim3A_284 : vector<256x1xi1>, vector<256x1xf32>
    %get3A_286 = arith.constant 512 : index
    %get3A_287 = arith.constant 0 : index
    %get3A_288 = vector.load %arg4[%get3A_286, %get3A_287] : memref<2048x1xf32, #tpu.memory_space<vmem>>, vector<256x1xf32>
    %jit3A_289 = arith.constant 0xFF800000 : f32
    %broadcast_in_dim3A_290 = vector.broadcast %jit3A_289 : f32 to vector<256x1xf32>
    %select_n3A_291 = arith.select %lt3A_261, %get3A_288, %broadcast_in_dim3A_290 : vector<256x1xi1>, vector<256x1xf32>
    %bitcast_convert_type3A_292 = tpu.bitcast %select_n3A_291 : vector<256x1xf32> -> vector<256x1xi32>
    %ge3A_293 = arith.constant 0 : i32
    %ge3A_294 = vector.broadcast %ge3A_293 : i32 to vector<256x1xi32>
    %ge3A_295 = arith.cmpi sge, %bitcast_convert_type3A_292, %ge3A_294 : vector<256x1xi32>
    %not3A_296 = arith.constant dense<-1> : vector<256x1xi32>
    %not3A_297 = arith.xori %bitcast_convert_type3A_292, %not3A_296 : vector<256x1xi32>
    %xor3A_298 = arith.constant -2147483648 : i32
    %xor3A_299 = vector.broadcast %xor3A_298 : i32 to vector<256x1xi32>
    %xor3A_300 = arith.xori %not3A_297, %xor3A_299 : vector<256x1xi32>
    %select_n3A_301 = arith.select %ge3A_295, %bitcast_convert_type3A_292, %xor3A_300 : vector<256x1xi1>, vector<256x1xi32>
    %jit3A_302 = arith.constant -2147483648 : i32
    %broadcast_in_dim3A_303 = vector.broadcast %jit3A_302 : i32 to vector<256x1xi32>
    %select_n3A_304 = arith.select %lt3A_261, %select_n3A_301, %broadcast_in_dim3A_303 : vector<256x1xi1>, vector<256x1xi32>
    %sub3A_305 = arith.subf %select_n3A_279, %select_n3A_267 : vector<256x1xf32>
    %sub3A_306 = arith.subf %select_n3A_285, %select_n3A_273 : vector<256x1xf32>
    %mul3A_307 = arith.mulf %sub3A_305, %sub3A_306 : vector<256x1xf32>
    %min3A_308 = vector.broadcast %select_n3A_279 : vector<256x1xf32> to vector<256x2048xf32>
    %min3A_309 = vector.broadcast %select_n3A_21 : vector<1x2048xf32> to vector<256x2048xf32>
    %min3A_310 = arith.minimumf %min3A_308, %min3A_309 : vector<256x2048xf32>
    %max3A_311 = vector.broadcast %select_n3A_267 : vector<256x1xf32> to vector<256x2048xf32>
    %max3A_312 = vector.broadcast %select_n3A_9 : vector<1x2048xf32> to vector<256x2048xf32>
    %max3A_313 = arith.maximumf %max3A_311, %max3A_312 : vector<256x2048xf32>
    %sub3A_314 = arith.subf %min3A_310, %max3A_313 : vector<256x2048xf32>
    %jit3A_315 = arith.constant 0.000000e+00 : f32
    %max3A_316 = vector.broadcast %jit3A_315 : f32 to vector<256x2048xf32>
    %max3A_317 = arith.maximumf %max3A_316, %sub3A_314 : vector<256x2048xf32>
    %min3A_318 = vector.broadcast %select_n3A_285 : vector<256x1xf32> to vector<256x2048xf32>
    %min3A_319 = vector.broadcast %select_n3A_27 : vector<1x2048xf32> to vector<256x2048xf32>
    %min3A_320 = arith.minimumf %min3A_318, %min3A_319 : vector<256x2048xf32>
    %max3A_321 = vector.broadcast %select_n3A_273 : vector<256x1xf32> to vector<256x2048xf32>
    %max3A_322 = vector.broadcast %select_n3A_15 : vector<1x2048xf32> to vector<256x2048xf32>
    %max3A_323 = arith.maximumf %max3A_321, %max3A_322 : vector<256x2048xf32>
    %sub3A_324 = arith.subf %min3A_320, %max3A_323 : vector<256x2048xf32>
    %jit3A_325 = arith.constant 0.000000e+00 : f32
    %max3A_326 = vector.broadcast %jit3A_325 : f32 to vector<256x2048xf32>
    %max3A_327 = arith.maximumf %max3A_326, %sub3A_324 : vector<256x2048xf32>
    %mul3A_328 = arith.mulf %max3A_317, %max3A_327 : vector<256x2048xf32>
    %add3A_329 = vector.broadcast %mul3A_307 : vector<256x1xf32> to vector<256x2048xf32>
    %add3A_330 = vector.broadcast %mul3A : vector<1x2048xf32> to vector<256x2048xf32>
    %add3A_331 = arith.addf %add3A_329, %add3A_330 : vector<256x2048xf32>
    %sub3A_332 = arith.subf %add3A_331, %mul3A_328 : vector<256x2048xf32>
    %add3A_333 = arith.constant 9.99999971E-10 : f32
    %add3A_334 = vector.broadcast %add3A_333 : f32 to vector<256x2048xf32>
    %add3A_335 = arith.addf %sub3A_332, %add3A_334 : vector<256x2048xf32>
    %div3A_336 = arith.divf %mul3A_328, %add3A_335 : vector<256x2048xf32>
    %gt3A_337 = vector.broadcast %select_n3A_304 : vector<256x1xi32> to vector<256x2048xi32>
    %gt3A_338 = vector.broadcast %select_n3A_36 : vector<1x2048xi32> to vector<256x2048xi32>
    %gt3A_339 = arith.cmpi sgt, %gt3A_337, %gt3A_338 : vector<256x2048xi32>
    %eq3A_340 = vector.broadcast %select_n3A_304 : vector<256x1xi32> to vector<256x2048xi32>
    %eq3A_341 = vector.broadcast %select_n3A_36 : vector<1x2048xi32> to vector<256x2048xi32>
    %eq3A_342 = arith.cmpi eq, %eq3A_340, %eq3A_341 : vector<256x2048xi32>
    %lt3A_343 = arith.cmpi slt, %add3A_254, %iota3A_38 : vector<256x2048xi32>
    %and3A_344 = arith.andi %eq3A_342, %lt3A_343 : vector<256x2048xi1>
    %or3A_345 = arith.ori %gt3A_339, %and3A_344 : vector<256x2048xi1>
    %convert_element_type3A_346 = arith.extui %or3A_345 : vector<256x2048xi1> to vector<256x2048xi32>
    %convert_element_type3A_347 = arith.sitofp %convert_element_type3A_346 : vector<256x2048xi32> to vector<256x2048xf32>
    %convert_element_type3A_348 = arith.truncf %convert_element_type3A_347 : vector<256x2048xf32> to vector<256x2048xbf16>
    %swap3A_349 = arith.constant 512 : index
    %swap3A_350 = arith.constant 0 : index
    %swap3A_351 = vector.load %arg17[%swap3A_349, %swap3A_350] : memref<2048x2048xbf16, #tpu.memory_space<vmem>>, vector<256x2048xbf16>
    tpu.vector_store %arg17[%swap3A_349, %swap3A_350], %convert_element_type3A_348 {strides = array<i32>} : memref<2048x2048xbf16, #tpu.memory_space<vmem>>, vector<256x2048xbf16>,
    %gt3A_352 = arith.constant 0.699999988 : f32
    %gt3A_353 = vector.broadcast %gt3A_352 : f32 to vector<256x2048xf32>
    %gt3A_354 = arith.cmpf ogt, %div3A_336, %gt3A_353 : vector<256x2048xf32>
    %and3A_355 = arith.andi %or3A_345, %gt3A_354 : vector<256x2048xi1>
    %convert_element_type3A_356 = arith.extui %and3A_355 : vector<256x2048xi1> to vector<256x2048xi32>
    %convert_element_type3A_357 = arith.sitofp %convert_element_type3A_356 : vector<256x2048xi32> to vector<256x2048xf32>
    %convert_element_type3A_358 = arith.truncf %convert_element_type3A_357 : vector<256x2048xf32> to vector<256x2048xbf16>
    %swap3A_359 = arith.constant 512 : index
    %swap3A_360 = arith.constant 0 : index
    %swap3A_361 = vector.load %arg16[%swap3A_359, %swap3A_360] : memref<2048x2048xbf16, #tpu.memory_space<vmem>>, vector<256x2048xbf16>
    tpu.vector_store %arg16[%swap3A_359, %swap3A_360], %convert_element_type3A_358 {strides = array<i32>} : memref<2048x2048xbf16, #tpu.memory_space<vmem>>, vector<256x2048xbf16>,
    %iota3A_362 = tpu.iota {dimensions = array<i32: 0>} : vector<256x2048xi32>
    %add3A_363 = arith.constant 768 : i32
    %add3A_364 = vector.broadcast %add3A_363 : i32 to vector<256x2048xi32>
    %add3A_365 = arith.addi %add3A_364, %iota3A_362 : vector<256x2048xi32>
    %iota3A_366 = tpu.iota {dimensions = array<i32: 0>} : vector<256x1xi32>
    %add3A_367 = arith.constant 768 : i32
    %add3A_368 = vector.broadcast %add3A_367 : i32 to vector<256x1xi32>
    %add3A_369 = arith.addi %add3A_368, %iota3A_366 : vector<256x1xi32>
    %lt3A_370 = arith.constant 2000 : i32
    %lt3A_371 = vector.broadcast %lt3A_370 : i32 to vector<256x1xi32>
    %lt3A_372 = arith.cmpi slt, %add3A_369, %lt3A_371 : vector<256x1xi32>
    %get3A_373 = arith.constant 768 : index
    %get3A_374 = arith.constant 0 : index
    %get3A_375 = vector.load %arg0[%get3A_373, %get3A_374] : memref<2048x1xf32, #tpu.memory_space<vmem>>, vector<256x1xf32>
    %jit3A_376 = arith.constant 0.000000e+00 : f32
    %broadcast_in_dim3A_377 = vector.broadcast %jit3A_376 : f32 to vector<256x1xf32>
    %select_n3A_378 = arith.select %lt3A_372, %get3A_375, %broadcast_in_dim3A_377 : vector<256x1xi1>, vector<256x1xf32>
    %get3A_379 = arith.constant 768 : index
    %get3A_380 = arith.constant 0 : index
    %get3A_381 = vector.load %arg1[%get3A_379, %get3A_380] : memref<2048x1xf32, #tpu.memory_space<vmem>>, vector<256x1xf32>
    %jit3A_382 = arith.constant 0.000000e+00 : f32
    %broadcast_in_dim3A_383 = vector.broadcast %jit3A_382 : f32 to vector<256x1xf32>
    %select_n3A_384 = arith.select %lt3A_372, %get3A_381, %broadcast_in_dim3A_383 : vector<256x1xi1>, vector<256x1xf32>
    %get3A_385 = arith.constant 768 : index
    %get3A_386 = arith.constant 0 : index
    %get3A_387 = vector.load %arg2[%get3A_385, %get3A_386] : memref<2048x1xf32, #tpu.memory_space<vmem>>, vector<256x1xf32>
    %jit3A_388 = arith.constant 0.000000e+00 : f32
    %broadcast_in_dim3A_389 = vector.broadcast %jit3A_388 : f32 to vector<256x1xf32>
    %select_n3A_390 = arith.select %lt3A_372, %get3A_387, %broadcast_in_dim3A_389 : vector<256x1xi1>, vector<256x1xf32>
    %get3A_391 = arith.constant 768 : index
    %get3A_392 = arith.constant 0 : index
    %get3A_393 = vector.load %arg3[%get3A_391, %get3A_392] : memref<2048x1xf32, #tpu.memory_space<vmem>>, vector<256x1xf32>
    %jit3A_394 = arith.constant 0.000000e+00 : f32
    %broadcast_in_dim3A_395 = vector.broadcast %jit3A_394 : f32 to vector<256x1xf32>
    %select_n3A_396 = arith.select %lt3A_372, %get3A_393, %broadcast_in_dim3A_395 : vector<256x1xi1>, vector<256x1xf32>
    %get3A_397 = arith.constant 768 : index
    %get3A_398 = arith.constant 0 : index
    %get3A_399 = vector.load %arg4[%get3A_397, %get3A_398] : memref<2048x1xf32, #tpu.memory_space<vmem>>, vector<256x1xf32>
    %jit3A_400 = arith.constant 0xFF800000 : f32
    %broadcast_in_dim3A_401 = vector.broadcast %jit3A_400 : f32 to vector<256x1xf32>
    %select_n3A_402 = arith.select %lt3A_372, %get3A_399, %broadcast_in_dim3A_401 : vector<256x1xi1>, vector<256x1xf32>
    %bitcast_convert_type3A_403 = tpu.bitcast %select_n3A_402 : vector<256x1xf32> -> vector<256x1xi32>
    %ge3A_404 = arith.constant 0 : i32
    %ge3A_405 = vector.broadcast %ge3A_404 : i32 to vector<256x1xi32>
    %ge3A_406 = arith.cmpi sge, %bitcast_convert_type3A_403, %ge3A_405 : vector<256x1xi32>
    %not3A_407 = arith.constant dense<-1> : vector<256x1xi32>
    %not3A_408 = arith.xori %bitcast_convert_type3A_403, %not3A_407 : vector<256x1xi32>
    %xor3A_409 = arith.constant -2147483648 : i32
    %xor3A_410 = vector.broadcast %xor3A_409 : i32 to vector<256x1xi32>
    %xor3A_411 = arith.xori %not3A_408, %xor3A_410 : vector<256x1xi32>
    %select_n3A_412 = arith.select %ge3A_406, %bitcast_convert_type3A_403, %xor3A_411 : vector<256x1xi1>, vector<256x1xi32>
    %jit3A_413 = arith.constant -2147483648 : i32
    %broadcast_in_dim3A_414 = vector.broadcast %jit3A_413 : i32 to vector<256x1xi32>
    %select_n3A_415 = arith.select %lt3A_372, %select_n3A_412, %broadcast_in_dim3A_414 : vector<256x1xi1>, vector<256x1xi32>
    %sub3A_416 = arith.subf %select_n3A_390, %select_n3A_378 : vector<256x1xf32>
    %sub3A_417 = arith.subf %select_n3A_396, %select_n3A_384 : vector<256x1xf32>
    %mul3A_418 = arith.mulf %sub3A_416, %sub3A_417 : vector<256x1xf32>
    %min3A_419 = vector.broadcast %select_n3A_390 : vector<256x1xf32> to vector<256x2048xf32>
    %min3A_420 = vector.broadcast %select_n3A_21 : vector<1x2048xf32> to vector<256x2048xf32>
    %min3A_421 = arith.minimumf %min3A_419, %min3A_420 : vector<256x2048xf32>
    %max3A_422 = vector.broadcast %select_n3A_378 : vector<256x1xf32> to vector<256x2048xf32>
    %max3A_423 = vector.broadcast %select_n3A_9 : vector<1x2048xf32> to vector<256x2048xf32>
    %max3A_424 = arith.maximumf %max3A_422, %max3A_423 : vector<256x2048xf32>
    %sub3A_425 = arith.subf %min3A_421, %max3A_424 : vector<256x2048xf32>
    %jit3A_426 = arith.constant 0.000000e+00 : f32
    %max3A_427 = vector.broadcast %jit3A_426 : f32 to vector<256x2048xf32>
    %max3A_428 = arith.maximumf %max3A_427, %sub3A_425 : vector<256x2048xf32>
    %min3A_429 = vector.broadcast %select_n3A_396 : vector<256x1xf32> to vector<256x2048xf32>
    %min3A_430 = vector.broadcast %select_n3A_27 : vector<1x2048xf32> to vector<256x2048xf32>
    %min3A_431 = arith.minimumf %min3A_429, %min3A_430 : vector<256x2048xf32>
    %max3A_432 = vector.broadcast %select_n3A_384 : vector<256x1xf32> to vector<256x2048xf32>
    %max3A_433 = vector.broadcast %select_n3A_15 : vector<1x2048xf32> to vector<256x2048xf32>
    %max3A_434 = arith.maximumf %max3A_432, %max3A_433 : vector<256x2048xf32>
    %sub3A_435 = arith.subf %min3A_431, %max3A_434 : vector<256x2048xf32>
    %jit3A_436 = arith.constant 0.000000e+00 : f32
    %max3A_437 = vector.broadcast %jit3A_436 : f32 to vector<256x2048xf32>
    %max3A_438 = arith.maximumf %max3A_437, %sub3A_435 : vector<256x2048xf32>
    %mul3A_439 = arith.mulf %max3A_428, %max3A_438 : vector<256x2048xf32>
    %add3A_440 = vector.broadcast %mul3A_418 : vector<256x1xf32> to vector<256x2048xf32>
    %add3A_441 = vector.broadcast %mul3A : vector<1x2048xf32> to vector<256x2048xf32>
    %add3A_442 = arith.addf %add3A_440, %add3A_441 : vector<256x2048xf32>
    %sub3A_443 = arith.subf %add3A_442, %mul3A_439 : vector<256x2048xf32>
    %add3A_444 = arith.constant 9.99999971E-10 : f32
    %add3A_445 = vector.broadcast %add3A_444 : f32 to vector<256x2048xf32>
    %add3A_446 = arith.addf %sub3A_443, %add3A_445 : vector<256x2048xf32>
    %div3A_447 = arith.divf %mul3A_439, %add3A_446 : vector<256x2048xf32>
    %gt3A_448 = vector.broadcast %select_n3A_415 : vector<256x1xi32> to vector<256x2048xi32>
    %gt3A_449 = vector.broadcast %select_n3A_36 : vector<1x2048xi32> to vector<256x2048xi32>
    %gt3A_450 = arith.cmpi sgt, %gt3A_448, %gt3A_449 : vector<256x2048xi32>
    %eq3A_451 = vector.broadcast %select_n3A_415 : vector<256x1xi32> to vector<256x2048xi32>
    %eq3A_452 = vector.broadcast %select_n3A_36 : vector<1x2048xi32> to vector<256x2048xi32>
    %eq3A_453 = arith.cmpi eq, %eq3A_451, %eq3A_452 : vector<256x2048xi32>
    %lt3A_454 = arith.cmpi slt, %add3A_365, %iota3A_38 : vector<256x2048xi32>
    %and3A_455 = arith.andi %eq3A_453, %lt3A_454 : vector<256x2048xi1>
    %or3A_456 = arith.ori %gt3A_450, %and3A_455 : vector<256x2048xi1>
    %convert_element_type3A_457 = arith.extui %or3A_456 : vector<256x2048xi1> to vector<256x2048xi32>
    %convert_element_type3A_458 = arith.sitofp %convert_element_type3A_457 : vector<256x2048xi32> to vector<256x2048xf32>
    %convert_element_type3A_459 = arith.truncf %convert_element_type3A_458 : vector<256x2048xf32> to vector<256x2048xbf16>
    %swap3A_460 = arith.constant 768 : index
    %swap3A_461 = arith.constant 0 : index
    %swap3A_462 = vector.load %arg17[%swap3A_460, %swap3A_461] : memref<2048x2048xbf16, #tpu.memory_space<vmem>>, vector<256x2048xbf16>
    tpu.vector_store %arg17[%swap3A_460, %swap3A_461], %convert_element_type3A_459 {strides = array<i32>} : memref<2048x2048xbf16, #tpu.memory_space<vmem>>, vector<256x2048xbf16>,
    %gt3A_463 = arith.constant 0.699999988 : f32
    %gt3A_464 = vector.broadcast %gt3A_463 : f32 to vector<256x2048xf32>
    %gt3A_465 = arith.cmpf ogt, %div3A_447, %gt3A_464 : vector<256x2048xf32>
    %and3A_466 = arith.andi %or3A_456, %gt3A_465 : vector<256x2048xi1>
    %convert_element_type3A_467 = arith.extui %and3A_466 : vector<256x2048xi1> to vector<256x2048xi32>
    %convert_element_type3A_468 = arith.sitofp %convert_element_type3A_467 : vector<256x2048xi32> to vector<256x2048xf32>
    %convert_element_type3A_469 = arith.truncf %convert_element_type3A_468 : vector<256x2048xf32> to vector<256x2048xbf16>
    %swap3A_470 = arith.constant 768 : index
    %swap3A_471 = arith.constant 0 : index
    %swap3A_472 = vector.load %arg16[%swap3A_470, %swap3A_471] : memref<2048x2048xbf16, #tpu.memory_space<vmem>>, vector<256x2048xbf16>
    tpu.vector_store %arg16[%swap3A_470, %swap3A_471], %convert_element_type3A_469 {strides = array<i32>} : memref<2048x2048xbf16, #tpu.memory_space<vmem>>, vector<256x2048xbf16>,
    %iota3A_473 = tpu.iota {dimensions = array<i32: 0>} : vector<256x2048xi32>
    %add3A_474 = arith.constant 1024 : i32
    %add3A_475 = vector.broadcast %add3A_474 : i32 to vector<256x2048xi32>
    %add3A_476 = arith.addi %add3A_475, %iota3A_473 : vector<256x2048xi32>
    %iota3A_477 = tpu.iota {dimensions = array<i32: 0>} : vector<256x1xi32>
    %add3A_478 = arith.constant 1024 : i32
    %add3A_479 = vector.broadcast %add3A_478 : i32 to vector<256x1xi32>
    %add3A_480 = arith.addi %add3A_479, %iota3A_477 : vector<256x1xi32>
    %lt3A_481 = arith.constant 2000 : i32
    %lt3A_482 = vector.broadcast %lt3A_481 : i32 to vector<256x1xi32>
    %lt3A_483 = arith.cmpi slt, %add3A_480, %lt3A_482 : vector<256x1xi32>
    %get3A_484 = arith.constant 1024 : index
    %get3A_485 = arith.constant 0 : index
    %get3A_486 = vector.load %arg0[%get3A_484, %get3A_485] : memref<2048x1xf32, #tpu.memory_space<vmem>>, vector<256x1xf32>
    %jit3A_487 = arith.constant 0.000000e+00 : f32
    %broadcast_in_dim3A_488 = vector.broadcast %jit3A_487 : f32 to vector<256x1xf32>
    %select_n3A_489 = arith.select %lt3A_483, %get3A_486, %broadcast_in_dim3A_488 : vector<256x1xi1>, vector<256x1xf32>
    %get3A_490 = arith.constant 1024 : index
    %get3A_491 = arith.constant 0 : index
    %get3A_492 = vector.load %arg1[%get3A_490, %get3A_491] : memref<2048x1xf32, #tpu.memory_space<vmem>>, vector<256x1xf32>
    %jit3A_493 = arith.constant 0.000000e+00 : f32
    %broadcast_in_dim3A_494 = vector.broadcast %jit3A_493 : f32 to vector<256x1xf32>
    %select_n3A_495 = arith.select %lt3A_483, %get3A_492, %broadcast_in_dim3A_494 : vector<256x1xi1>, vector<256x1xf32>
    %get3A_496 = arith.constant 1024 : index
    %get3A_497 = arith.constant 0 : index
    %get3A_498 = vector.load %arg2[%get3A_496, %get3A_497] : memref<2048x1xf32, #tpu.memory_space<vmem>>, vector<256x1xf32>
    %jit3A_499 = arith.constant 0.000000e+00 : f32
    %broadcast_in_dim3A_500 = vector.broadcast %jit3A_499 : f32 to vector<256x1xf32>
    %select_n3A_501 = arith.select %lt3A_483, %get3A_498, %broadcast_in_dim3A_500 : vector<256x1xi1>, vector<256x1xf32>
    %get3A_502 = arith.constant 1024 : index
    %get3A_503 = arith.constant 0 : index
    %get3A_504 = vector.load %arg3[%get3A_502, %get3A_503] : memref<2048x1xf32, #tpu.memory_space<vmem>>, vector<256x1xf32>
    %jit3A_505 = arith.constant 0.000000e+00 : f32
    %broadcast_in_dim3A_506 = vector.broadcast %jit3A_505 : f32 to vector<256x1xf32>
    %select_n3A_507 = arith.select %lt3A_483, %get3A_504, %broadcast_in_dim3A_506 : vector<256x1xi1>, vector<256x1xf32>
    %get3A_508 = arith.constant 1024 : index
    %get3A_509 = arith.constant 0 : index
    %get3A_510 = vector.load %arg4[%get3A_508, %get3A_509] : memref<2048x1xf32, #tpu.memory_space<vmem>>, vector<256x1xf32>
    %jit3A_511 = arith.constant 0xFF800000 : f32
    %broadcast_in_dim3A_512 = vector.broadcast %jit3A_511 : f32 to vector<256x1xf32>
    %select_n3A_513 = arith.select %lt3A_483, %get3A_510, %broadcast_in_dim3A_512 : vector<256x1xi1>, vector<256x1xf32>
    %bitcast_convert_type3A_514 = tpu.bitcast %select_n3A_513 : vector<256x1xf32> -> vector<256x1xi32>
    %ge3A_515 = arith.constant 0 : i32
    %ge3A_516 = vector.broadcast %ge3A_515 : i32 to vector<256x1xi32>
    %ge3A_517 = arith.cmpi sge, %bitcast_convert_type3A_514, %ge3A_516 : vector<256x1xi32>
    %not3A_518 = arith.constant dense<-1> : vector<256x1xi32>
    %not3A_519 = arith.xori %bitcast_convert_type3A_514, %not3A_518 : vector<256x1xi32>
    %xor3A_520 = arith.constant -2147483648 : i32
    %xor3A_521 = vector.broadcast %xor3A_520 : i32 to vector<256x1xi32>
    %xor3A_522 = arith.xori %not3A_519, %xor3A_521 : vector<256x1xi32>
    %select_n3A_523 = arith.select %ge3A_517, %bitcast_convert_type3A_514, %xor3A_522 : vector<256x1xi1>, vector<256x1xi32>
    %jit3A_524 = arith.constant -2147483648 : i32
    %broadcast_in_dim3A_525 = vector.broadcast %jit3A_524 : i32 to vector<256x1xi32>
    %select_n3A_526 = arith.select %lt3A_483, %select_n3A_523, %broadcast_in_dim3A_525 : vector<256x1xi1>, vector<256x1xi32>
    %sub3A_527 = arith.subf %select_n3A_501, %select_n3A_489 : vector<256x1xf32>
    %sub3A_528 = arith.subf %select_n3A_507, %select_n3A_495 : vector<256x1xf32>
    %mul3A_529 = arith.mulf %sub3A_527, %sub3A_528 : vector<256x1xf32>
    %min3A_530 = vector.broadcast %select_n3A_501 : vector<256x1xf32> to vector<256x2048xf32>
    %min3A_531 = vector.broadcast %select_n3A_21 : vector<1x2048xf32> to vector<256x2048xf32>
    %min3A_532 = arith.minimumf %min3A_530, %min3A_531 : vector<256x2048xf32>
    %max3A_533 = vector.broadcast %select_n3A_489 : vector<256x1xf32> to vector<256x2048xf32>
    %max3A_534 = vector.broadcast %select_n3A_9 : vector<1x2048xf32> to vector<256x2048xf32>
    %max3A_535 = arith.maximumf %max3A_533, %max3A_534 : vector<256x2048xf32>
    %sub3A_536 = arith.subf %min3A_532, %max3A_535 : vector<256x2048xf32>
    %jit3A_537 = arith.constant 0.000000e+00 : f32
    %max3A_538 = vector.broadcast %jit3A_537 : f32 to vector<256x2048xf32>
    %max3A_539 = arith.maximumf %max3A_538, %sub3A_536 : vector<256x2048xf32>
    %min3A_540 = vector.broadcast %select_n3A_507 : vector<256x1xf32> to vector<256x2048xf32>
    %min3A_541 = vector.broadcast %select_n3A_27 : vector<1x2048xf32> to vector<256x2048xf32>
    %min3A_542 = arith.minimumf %min3A_540, %min3A_541 : vector<256x2048xf32>
    %max3A_543 = vector.broadcast %select_n3A_495 : vector<256x1xf32> to vector<256x2048xf32>
    %max3A_544 = vector.broadcast %select_n3A_15 : vector<1x2048xf32> to vector<256x2048xf32>
    %max3A_545 = arith.maximumf %max3A_543, %max3A_544 : vector<256x2048xf32>
    %sub3A_546 = arith.subf %min3A_542, %max3A_545 : vector<256x2048xf32>
    %jit3A_547 = arith.constant 0.000000e+00 : f32
    %max3A_548 = vector.broadcast %jit3A_547 : f32 to vector<256x2048xf32>
    %max3A_549 = arith.maximumf %max3A_548, %sub3A_546 : vector<256x2048xf32>
    %mul3A_550 = arith.mulf %max3A_539, %max3A_549 : vector<256x2048xf32>
    %add3A_551 = vector.broadcast %mul3A_529 : vector<256x1xf32> to vector<256x2048xf32>
    %add3A_552 = vector.broadcast %mul3A : vector<1x2048xf32> to vector<256x2048xf32>
    %add3A_553 = arith.addf %add3A_551, %add3A_552 : vector<256x2048xf32>
    %sub3A_554 = arith.subf %add3A_553, %mul3A_550 : vector<256x2048xf32>
    %add3A_555 = arith.constant 9.99999971E-10 : f32
    %add3A_556 = vector.broadcast %add3A_555 : f32 to vector<256x2048xf32>
    %add3A_557 = arith.addf %sub3A_554, %add3A_556 : vector<256x2048xf32>
    %div3A_558 = arith.divf %mul3A_550, %add3A_557 : vector<256x2048xf32>
    %gt3A_559 = vector.broadcast %select_n3A_526 : vector<256x1xi32> to vector<256x2048xi32>
    %gt3A_560 = vector.broadcast %select_n3A_36 : vector<1x2048xi32> to vector<256x2048xi32>
    %gt3A_561 = arith.cmpi sgt, %gt3A_559, %gt3A_560 : vector<256x2048xi32>
    %eq3A_562 = vector.broadcast %select_n3A_526 : vector<256x1xi32> to vector<256x2048xi32>
    %eq3A_563 = vector.broadcast %select_n3A_36 : vector<1x2048xi32> to vector<256x2048xi32>
    %eq3A_564 = arith.cmpi eq, %eq3A_562, %eq3A_563 : vector<256x2048xi32>
    %lt3A_565 = arith.cmpi slt, %add3A_476, %iota3A_38 : vector<256x2048xi32>
    %and3A_566 = arith.andi %eq3A_564, %lt3A_565 : vector<256x2048xi1>
    %or3A_567 = arith.ori %gt3A_561, %and3A_566 : vector<256x2048xi1>
    %convert_element_type3A_568 = arith.extui %or3A_567 : vector<256x2048xi1> to vector<256x2048xi32>
    %convert_element_type3A_569 = arith.sitofp %convert_element_type3A_568 : vector<256x2048xi32> to vector<256x2048xf32>
    %convert_element_type3A_570 = arith.truncf %convert_element_type3A_569 : vector<256x2048xf32> to vector<256x2048xbf16>
    %swap3A_571 = arith.constant 1024 : index
    %swap3A_572 = arith.constant 0 : index
    %swap3A_573 = vector.load %arg17[%swap3A_571, %swap3A_572] : memref<2048x2048xbf16, #tpu.memory_space<vmem>>, vector<256x2048xbf16>
    tpu.vector_store %arg17[%swap3A_571, %swap3A_572], %convert_element_type3A_570 {strides = array<i32>} : memref<2048x2048xbf16, #tpu.memory_space<vmem>>, vector<256x2048xbf16>,
    %gt3A_574 = arith.constant 0.699999988 : f32
    %gt3A_575 = vector.broadcast %gt3A_574 : f32 to vector<256x2048xf32>
    %gt3A_576 = arith.cmpf ogt, %div3A_558, %gt3A_575 : vector<256x2048xf32>
    %and3A_577 = arith.andi %or3A_567, %gt3A_576 : vector<256x2048xi1>
    %convert_element_type3A_578 = arith.extui %and3A_577 : vector<256x2048xi1> to vector<256x2048xi32>
    %convert_element_type3A_579 = arith.sitofp %convert_element_type3A_578 : vector<256x2048xi32> to vector<256x2048xf32>
    %convert_element_type3A_580 = arith.truncf %convert_element_type3A_579 : vector<256x2048xf32> to vector<256x2048xbf16>
    %swap3A_581 = arith.constant 1024 : index
    %swap3A_582 = arith.constant 0 : index
    %swap3A_583 = vector.load %arg16[%swap3A_581, %swap3A_582] : memref<2048x2048xbf16, #tpu.memory_space<vmem>>, vector<256x2048xbf16>
    tpu.vector_store %arg16[%swap3A_581, %swap3A_582], %convert_element_type3A_580 {strides = array<i32>} : memref<2048x2048xbf16, #tpu.memory_space<vmem>>, vector<256x2048xbf16>,
    %iota3A_584 = tpu.iota {dimensions = array<i32: 0>} : vector<256x2048xi32>
    %add3A_585 = arith.constant 1280 : i32
    %add3A_586 = vector.broadcast %add3A_585 : i32 to vector<256x2048xi32>
    %add3A_587 = arith.addi %add3A_586, %iota3A_584 : vector<256x2048xi32>
    %iota3A_588 = tpu.iota {dimensions = array<i32: 0>} : vector<256x1xi32>
    %add3A_589 = arith.constant 1280 : i32
    %add3A_590 = vector.broadcast %add3A_589 : i32 to vector<256x1xi32>
    %add3A_591 = arith.addi %add3A_590, %iota3A_588 : vector<256x1xi32>
    %lt3A_592 = arith.constant 2000 : i32
    %lt3A_593 = vector.broadcast %lt3A_592 : i32 to vector<256x1xi32>
    %lt3A_594 = arith.cmpi slt, %add3A_591, %lt3A_593 : vector<256x1xi32>
    %get3A_595 = arith.constant 1280 : index
    %get3A_596 = arith.constant 0 : index
    %get3A_597 = vector.load %arg0[%get3A_595, %get3A_596] : memref<2048x1xf32, #tpu.memory_space<vmem>>, vector<256x1xf32>
    %jit3A_598 = arith.constant 0.000000e+00 : f32
    %broadcast_in_dim3A_599 = vector.broadcast %jit3A_598 : f32 to vector<256x1xf32>
    %select_n3A_600 = arith.select %lt3A_594, %get3A_597, %broadcast_in_dim3A_599 : vector<256x1xi1>, vector<256x1xf32>
    %get3A_601 = arith.constant 1280 : index
    %get3A_602 = arith.constant 0 : index
    %get3A_603 = vector.load %arg1[%get3A_601, %get3A_602] : memref<2048x1xf32, #tpu.memory_space<vmem>>, vector<256x1xf32>
    %jit3A_604 = arith.constant 0.000000e+00 : f32
    %broadcast_in_dim3A_605 = vector.broadcast %jit3A_604 : f32 to vector<256x1xf32>
    %select_n3A_606 = arith.select %lt3A_594, %get3A_603, %broadcast_in_dim3A_605 : vector<256x1xi1>, vector<256x1xf32>
    %get3A_607 = arith.constant 1280 : index
    %get3A_608 = arith.constant 0 : index
    %get3A_609 = vector.load %arg2[%get3A_607, %get3A_608] : memref<2048x1xf32, #tpu.memory_space<vmem>>, vector<256x1xf32>
    %jit3A_610 = arith.constant 0.000000e+00 : f32
    %broadcast_in_dim3A_611 = vector.broadcast %jit3A_610 : f32 to vector<256x1xf32>
    %select_n3A_612 = arith.select %lt3A_594, %get3A_609, %broadcast_in_dim3A_611 : vector<256x1xi1>, vector<256x1xf32>
    %get3A_613 = arith.constant 1280 : index
    %get3A_614 = arith.constant 0 : index
    %get3A_615 = vector.load %arg3[%get3A_613, %get3A_614] : memref<2048x1xf32, #tpu.memory_space<vmem>>, vector<256x1xf32>
    %jit3A_616 = arith.constant 0.000000e+00 : f32
    %broadcast_in_dim3A_617 = vector.broadcast %jit3A_616 : f32 to vector<256x1xf32>
    %select_n3A_618 = arith.select %lt3A_594, %get3A_615, %broadcast_in_dim3A_617 : vector<256x1xi1>, vector<256x1xf32>
    %get3A_619 = arith.constant 1280 : index
    %get3A_620 = arith.constant 0 : index
    %get3A_621 = vector.load %arg4[%get3A_619, %get3A_620] : memref<2048x1xf32, #tpu.memory_space<vmem>>, vector<256x1xf32>
    %jit3A_622 = arith.constant 0xFF800000 : f32
    %broadcast_in_dim3A_623 = vector.broadcast %jit3A_622 : f32 to vector<256x1xf32>
    %select_n3A_624 = arith.select %lt3A_594, %get3A_621, %broadcast_in_dim3A_623 : vector<256x1xi1>, vector<256x1xf32>
    %bitcast_convert_type3A_625 = tpu.bitcast %select_n3A_624 : vector<256x1xf32> -> vector<256x1xi32>
    %ge3A_626 = arith.constant 0 : i32
    %ge3A_627 = vector.broadcast %ge3A_626 : i32 to vector<256x1xi32>
    %ge3A_628 = arith.cmpi sge, %bitcast_convert_type3A_625, %ge3A_627 : vector<256x1xi32>
    %not3A_629 = arith.constant dense<-1> : vector<256x1xi32>
    %not3A_630 = arith.xori %bitcast_convert_type3A_625, %not3A_629 : vector<256x1xi32>
    %xor3A_631 = arith.constant -2147483648 : i32
    %xor3A_632 = vector.broadcast %xor3A_631 : i32 to vector<256x1xi32>
    %xor3A_633 = arith.xori %not3A_630, %xor3A_632 : vector<256x1xi32>
    %select_n3A_634 = arith.select %ge3A_628, %bitcast_convert_type3A_625, %xor3A_633 : vector<256x1xi1>, vector<256x1xi32>
    %jit3A_635 = arith.constant -2147483648 : i32
    %broadcast_in_dim3A_636 = vector.broadcast %jit3A_635 : i32 to vector<256x1xi32>
    %select_n3A_637 = arith.select %lt3A_594, %select_n3A_634, %broadcast_in_dim3A_636 : vector<256x1xi1>, vector<256x1xi32>
    %sub3A_638 = arith.subf %select_n3A_612, %select_n3A_600 : vector<256x1xf32>
    %sub3A_639 = arith.subf %select_n3A_618, %select_n3A_606 : vector<256x1xf32>
    %mul3A_640 = arith.mulf %sub3A_638, %sub3A_639 : vector<256x1xf32>
    %min3A_641 = vector.broadcast %select_n3A_612 : vector<256x1xf32> to vector<256x2048xf32>
    %min3A_642 = vector.broadcast %select_n3A_21 : vector<1x2048xf32> to vector<256x2048xf32>
    %min3A_643 = arith.minimumf %min3A_641, %min3A_642 : vector<256x2048xf32>
    %max3A_644 = vector.broadcast %select_n3A_600 : vector<256x1xf32> to vector<256x2048xf32>
    %max3A_645 = vector.broadcast %select_n3A_9 : vector<1x2048xf32> to vector<256x2048xf32>
    %max3A_646 = arith.maximumf %max3A_644, %max3A_645 : vector<256x2048xf32>
    %sub3A_647 = arith.subf %min3A_643, %max3A_646 : vector<256x2048xf32>
    %jit3A_648 = arith.constant 0.000000e+00 : f32
    %max3A_649 = vector.broadcast %jit3A_648 : f32 to vector<256x2048xf32>
    %max3A_650 = arith.maximumf %max3A_649, %sub3A_647 : vector<256x2048xf32>
    %min3A_651 = vector.broadcast %select_n3A_618 : vector<256x1xf32> to vector<256x2048xf32>
    %min3A_652 = vector.broadcast %select_n3A_27 : vector<1x2048xf32> to vector<256x2048xf32>
    %min3A_653 = arith.minimumf %min3A_651, %min3A_652 : vector<256x2048xf32>
    %max3A_654 = vector.broadcast %select_n3A_606 : vector<256x1xf32> to vector<256x2048xf32>
    %max3A_655 = vector.broadcast %select_n3A_15 : vector<1x2048xf32> to vector<256x2048xf32>
    %max3A_656 = arith.maximumf %max3A_654, %max3A_655 : vector<256x2048xf32>
    %sub3A_657 = arith.subf %min3A_653, %max3A_656 : vector<256x2048xf32>
    %jit3A_658 = arith.constant 0.000000e+00 : f32
    %max3A_659 = vector.broadcast %jit3A_658 : f32 to vector<256x2048xf32>
    %max3A_660 = arith.maximumf %max3A_659, %sub3A_657 : vector<256x2048xf32>
    %mul3A_661 = arith.mulf %max3A_650, %max3A_660 : vector<256x2048xf32>
    %add3A_662 = vector.broadcast %mul3A_640 : vector<256x1xf32> to vector<256x2048xf32>
    %add3A_663 = vector.broadcast %mul3A : vector<1x2048xf32> to vector<256x2048xf32>
    %add3A_664 = arith.addf %add3A_662, %add3A_663 : vector<256x2048xf32>
    %sub3A_665 = arith.subf %add3A_664, %mul3A_661 : vector<256x2048xf32>
    %add3A_666 = arith.constant 9.99999971E-10 : f32
    %add3A_667 = vector.broadcast %add3A_666 : f32 to vector<256x2048xf32>
    %add3A_668 = arith.addf %sub3A_665, %add3A_667 : vector<256x2048xf32>
    %div3A_669 = arith.divf %mul3A_661, %add3A_668 : vector<256x2048xf32>
    %gt3A_670 = vector.broadcast %select_n3A_637 : vector<256x1xi32> to vector<256x2048xi32>
    %gt3A_671 = vector.broadcast %select_n3A_36 : vector<1x2048xi32> to vector<256x2048xi32>
    %gt3A_672 = arith.cmpi sgt, %gt3A_670, %gt3A_671 : vector<256x2048xi32>
    %eq3A_673 = vector.broadcast %select_n3A_637 : vector<256x1xi32> to vector<256x2048xi32>
    %eq3A_674 = vector.broadcast %select_n3A_36 : vector<1x2048xi32> to vector<256x2048xi32>
    %eq3A_675 = arith.cmpi eq, %eq3A_673, %eq3A_674 : vector<256x2048xi32>
    %lt3A_676 = arith.cmpi slt, %add3A_587, %iota3A_38 : vector<256x2048xi32>
    %and3A_677 = arith.andi %eq3A_675, %lt3A_676 : vector<256x2048xi1>
    %or3A_678 = arith.ori %gt3A_672, %and3A_677 : vector<256x2048xi1>
    %convert_element_type3A_679 = arith.extui %or3A_678 : vector<256x2048xi1> to vector<256x2048xi32>
    %convert_element_type3A_680 = arith.sitofp %convert_element_type3A_679 : vector<256x2048xi32> to vector<256x2048xf32>
    %convert_element_type3A_681 = arith.truncf %convert_element_type3A_680 : vector<256x2048xf32> to vector<256x2048xbf16>
    %swap3A_682 = arith.constant 1280 : index
    %swap3A_683 = arith.constant 0 : index
    %swap3A_684 = vector.load %arg17[%swap3A_682, %swap3A_683] : memref<2048x2048xbf16, #tpu.memory_space<vmem>>, vector<256x2048xbf16>
    tpu.vector_store %arg17[%swap3A_682, %swap3A_683], %convert_element_type3A_681 {strides = array<i32>} : memref<2048x2048xbf16, #tpu.memory_space<vmem>>, vector<256x2048xbf16>,
    %gt3A_685 = arith.constant 0.699999988 : f32
    %gt3A_686 = vector.broadcast %gt3A_685 : f32 to vector<256x2048xf32>
    %gt3A_687 = arith.cmpf ogt, %div3A_669, %gt3A_686 : vector<256x2048xf32>
    %and3A_688 = arith.andi %or3A_678, %gt3A_687 : vector<256x2048xi1>
    %convert_element_type3A_689 = arith.extui %and3A_688 : vector<256x2048xi1> to vector<256x2048xi32>
    %convert_element_type3A_690 = arith.sitofp %convert_element_type3A_689 : vector<256x2048xi32> to vector<256x2048xf32>
    %convert_element_type3A_691 = arith.truncf %convert_element_type3A_690 : vector<256x2048xf32> to vector<256x2048xbf16>
    %swap3A_692 = arith.constant 1280 : index
    %swap3A_693 = arith.constant 0 : index
    %swap3A_694 = vector.load %arg16[%swap3A_692, %swap3A_693] : memref<2048x2048xbf16, #tpu.memory_space<vmem>>, vector<256x2048xbf16>
    tpu.vector_store %arg16[%swap3A_692, %swap3A_693], %convert_element_type3A_691 {strides = array<i32>} : memref<2048x2048xbf16, #tpu.memory_space<vmem>>, vector<256x2048xbf16>,
    %iota3A_695 = tpu.iota {dimensions = array<i32: 0>} : vector<256x2048xi32>
    %add3A_696 = arith.constant 1536 : i32
    %add3A_697 = vector.broadcast %add3A_696 : i32 to vector<256x2048xi32>
    %add3A_698 = arith.addi %add3A_697, %iota3A_695 : vector<256x2048xi32>
    %iota3A_699 = tpu.iota {dimensions = array<i32: 0>} : vector<256x1xi32>
    %add3A_700 = arith.constant 1536 : i32
    %add3A_701 = vector.broadcast %add3A_700 : i32 to vector<256x1xi32>
    %add3A_702 = arith.addi %add3A_701, %iota3A_699 : vector<256x1xi32>
    %lt3A_703 = arith.constant 2000 : i32
    %lt3A_704 = vector.broadcast %lt3A_703 : i32 to vector<256x1xi32>
    %lt3A_705 = arith.cmpi slt, %add3A_702, %lt3A_704 : vector<256x1xi32>
    %get3A_706 = arith.constant 1536 : index
    %get3A_707 = arith.constant 0 : index
    %get3A_708 = vector.load %arg0[%get3A_706, %get3A_707] : memref<2048x1xf32, #tpu.memory_space<vmem>>, vector<256x1xf32>
    %jit3A_709 = arith.constant 0.000000e+00 : f32
    %broadcast_in_dim3A_710 = vector.broadcast %jit3A_709 : f32 to vector<256x1xf32>
    %select_n3A_711 = arith.select %lt3A_705, %get3A_708, %broadcast_in_dim3A_710 : vector<256x1xi1>, vector<256x1xf32>
    %get3A_712 = arith.constant 1536 : index
    %get3A_713 = arith.constant 0 : index
    %get3A_714 = vector.load %arg1[%get3A_712, %get3A_713] : memref<2048x1xf32, #tpu.memory_space<vmem>>, vector<256x1xf32>
    %jit3A_715 = arith.constant 0.000000e+00 : f32
    %broadcast_in_dim3A_716 = vector.broadcast %jit3A_715 : f32 to vector<256x1xf32>
    %select_n3A_717 = arith.select %lt3A_705, %get3A_714, %broadcast_in_dim3A_716 : vector<256x1xi1>, vector<256x1xf32>
    %get3A_718 = arith.constant 1536 : index
    %get3A_719 = arith.constant 0 : index
    %get3A_720 = vector.load %arg2[%get3A_718, %get3A_719] : memref<2048x1xf32, #tpu.memory_space<vmem>>, vector<256x1xf32>
    %jit3A_721 = arith.constant 0.000000e+00 : f32
    %broadcast_in_dim3A_722 = vector.broadcast %jit3A_721 : f32 to vector<256x1xf32>
    %select_n3A_723 = arith.select %lt3A_705, %get3A_720, %broadcast_in_dim3A_722 : vector<256x1xi1>, vector<256x1xf32>
    %get3A_724 = arith.constant 1536 : index
    %get3A_725 = arith.constant 0 : index
    %get3A_726 = vector.load %arg3[%get3A_724, %get3A_725] : memref<2048x1xf32, #tpu.memory_space<vmem>>, vector<256x1xf32>
    %jit3A_727 = arith.constant 0.000000e+00 : f32
    %broadcast_in_dim3A_728 = vector.broadcast %jit3A_727 : f32 to vector<256x1xf32>
    %select_n3A_729 = arith.select %lt3A_705, %get3A_726, %broadcast_in_dim3A_728 : vector<256x1xi1>, vector<256x1xf32>
    %get3A_730 = arith.constant 1536 : index
    %get3A_731 = arith.constant 0 : index
    %get3A_732 = vector.load %arg4[%get3A_730, %get3A_731] : memref<2048x1xf32, #tpu.memory_space<vmem>>, vector<256x1xf32>
    %jit3A_733 = arith.constant 0xFF800000 : f32
    %broadcast_in_dim3A_734 = vector.broadcast %jit3A_733 : f32 to vector<256x1xf32>
    %select_n3A_735 = arith.select %lt3A_705, %get3A_732, %broadcast_in_dim3A_734 : vector<256x1xi1>, vector<256x1xf32>
    %bitcast_convert_type3A_736 = tpu.bitcast %select_n3A_735 : vector<256x1xf32> -> vector<256x1xi32>
    %ge3A_737 = arith.constant 0 : i32
    %ge3A_738 = vector.broadcast %ge3A_737 : i32 to vector<256x1xi32>
    %ge3A_739 = arith.cmpi sge, %bitcast_convert_type3A_736, %ge3A_738 : vector<256x1xi32>
    %not3A_740 = arith.constant dense<-1> : vector<256x1xi32>
    %not3A_741 = arith.xori %bitcast_convert_type3A_736, %not3A_740 : vector<256x1xi32>
    %xor3A_742 = arith.constant -2147483648 : i32
    %xor3A_743 = vector.broadcast %xor3A_742 : i32 to vector<256x1xi32>
    %xor3A_744 = arith.xori %not3A_741, %xor3A_743 : vector<256x1xi32>
    %select_n3A_745 = arith.select %ge3A_739, %bitcast_convert_type3A_736, %xor3A_744 : vector<256x1xi1>, vector<256x1xi32>
    %jit3A_746 = arith.constant -2147483648 : i32
    %broadcast_in_dim3A_747 = vector.broadcast %jit3A_746 : i32 to vector<256x1xi32>
    %select_n3A_748 = arith.select %lt3A_705, %select_n3A_745, %broadcast_in_dim3A_747 : vector<256x1xi1>, vector<256x1xi32>
    %sub3A_749 = arith.subf %select_n3A_723, %select_n3A_711 : vector<256x1xf32>
    %sub3A_750 = arith.subf %select_n3A_729, %select_n3A_717 : vector<256x1xf32>
    %mul3A_751 = arith.mulf %sub3A_749, %sub3A_750 : vector<256x1xf32>
    %min3A_752 = vector.broadcast %select_n3A_723 : vector<256x1xf32> to vector<256x2048xf32>
    %min3A_753 = vector.broadcast %select_n3A_21 : vector<1x2048xf32> to vector<256x2048xf32>
    %min3A_754 = arith.minimumf %min3A_752, %min3A_753 : vector<256x2048xf32>
    %max3A_755 = vector.broadcast %select_n3A_711 : vector<256x1xf32> to vector<256x2048xf32>
    %max3A_756 = vector.broadcast %select_n3A_9 : vector<1x2048xf32> to vector<256x2048xf32>
    %max3A_757 = arith.maximumf %max3A_755, %max3A_756 : vector<256x2048xf32>
    %sub3A_758 = arith.subf %min3A_754, %max3A_757 : vector<256x2048xf32>
    %jit3A_759 = arith.constant 0.000000e+00 : f32
    %max3A_760 = vector.broadcast %jit3A_759 : f32 to vector<256x2048xf32>
    %max3A_761 = arith.maximumf %max3A_760, %sub3A_758 : vector<256x2048xf32>
    %min3A_762 = vector.broadcast %select_n3A_729 : vector<256x1xf32> to vector<256x2048xf32>
    %min3A_763 = vector.broadcast %select_n3A_27 : vector<1x2048xf32> to vector<256x2048xf32>
    %min3A_764 = arith.minimumf %min3A_762, %min3A_763 : vector<256x2048xf32>
    %max3A_765 = vector.broadcast %select_n3A_717 : vector<256x1xf32> to vector<256x2048xf32>
    %max3A_766 = vector.broadcast %select_n3A_15 : vector<1x2048xf32> to vector<256x2048xf32>
    %max3A_767 = arith.maximumf %max3A_765, %max3A_766 : vector<256x2048xf32>
    %sub3A_768 = arith.subf %min3A_764, %max3A_767 : vector<256x2048xf32>
    %jit3A_769 = arith.constant 0.000000e+00 : f32
    %max3A_770 = vector.broadcast %jit3A_769 : f32 to vector<256x2048xf32>
    %max3A_771 = arith.maximumf %max3A_770, %sub3A_768 : vector<256x2048xf32>
    %mul3A_772 = arith.mulf %max3A_761, %max3A_771 : vector<256x2048xf32>
    %add3A_773 = vector.broadcast %mul3A_751 : vector<256x1xf32> to vector<256x2048xf32>
    %add3A_774 = vector.broadcast %mul3A : vector<1x2048xf32> to vector<256x2048xf32>
    %add3A_775 = arith.addf %add3A_773, %add3A_774 : vector<256x2048xf32>
    %sub3A_776 = arith.subf %add3A_775, %mul3A_772 : vector<256x2048xf32>
    %add3A_777 = arith.constant 9.99999971E-10 : f32
    %add3A_778 = vector.broadcast %add3A_777 : f32 to vector<256x2048xf32>
    %add3A_779 = arith.addf %sub3A_776, %add3A_778 : vector<256x2048xf32>
    %div3A_780 = arith.divf %mul3A_772, %add3A_779 : vector<256x2048xf32>
    %gt3A_781 = vector.broadcast %select_n3A_748 : vector<256x1xi32> to vector<256x2048xi32>
    %gt3A_782 = vector.broadcast %select_n3A_36 : vector<1x2048xi32> to vector<256x2048xi32>
    %gt3A_783 = arith.cmpi sgt, %gt3A_781, %gt3A_782 : vector<256x2048xi32>
    %eq3A_784 = vector.broadcast %select_n3A_748 : vector<256x1xi32> to vector<256x2048xi32>
    %eq3A_785 = vector.broadcast %select_n3A_36 : vector<1x2048xi32> to vector<256x2048xi32>
    %eq3A_786 = arith.cmpi eq, %eq3A_784, %eq3A_785 : vector<256x2048xi32>
    %lt3A_787 = arith.cmpi slt, %add3A_698, %iota3A_38 : vector<256x2048xi32>
    %and3A_788 = arith.andi %eq3A_786, %lt3A_787 : vector<256x2048xi1>
    %or3A_789 = arith.ori %gt3A_783, %and3A_788 : vector<256x2048xi1>
    %convert_element_type3A_790 = arith.extui %or3A_789 : vector<256x2048xi1> to vector<256x2048xi32>
    %convert_element_type3A_791 = arith.sitofp %convert_element_type3A_790 : vector<256x2048xi32> to vector<256x2048xf32>
    %convert_element_type3A_792 = arith.truncf %convert_element_type3A_791 : vector<256x2048xf32> to vector<256x2048xbf16>
    %swap3A_793 = arith.constant 1536 : index
    %swap3A_794 = arith.constant 0 : index
    %swap3A_795 = vector.load %arg17[%swap3A_793, %swap3A_794] : memref<2048x2048xbf16, #tpu.memory_space<vmem>>, vector<256x2048xbf16>
    tpu.vector_store %arg17[%swap3A_793, %swap3A_794], %convert_element_type3A_792 {strides = array<i32>} : memref<2048x2048xbf16, #tpu.memory_space<vmem>>, vector<256x2048xbf16>,
    %gt3A_796 = arith.constant 0.699999988 : f32
    %gt3A_797 = vector.broadcast %gt3A_796 : f32 to vector<256x2048xf32>
    %gt3A_798 = arith.cmpf ogt, %div3A_780, %gt3A_797 : vector<256x2048xf32>
    %and3A_799 = arith.andi %or3A_789, %gt3A_798 : vector<256x2048xi1>
    %convert_element_type3A_800 = arith.extui %and3A_799 : vector<256x2048xi1> to vector<256x2048xi32>
    %convert_element_type3A_801 = arith.sitofp %convert_element_type3A_800 : vector<256x2048xi32> to vector<256x2048xf32>
    %convert_element_type3A_802 = arith.truncf %convert_element_type3A_801 : vector<256x2048xf32> to vector<256x2048xbf16>
    %swap3A_803 = arith.constant 1536 : index
    %swap3A_804 = arith.constant 0 : index
    %swap3A_805 = vector.load %arg16[%swap3A_803, %swap3A_804] : memref<2048x2048xbf16, #tpu.memory_space<vmem>>, vector<256x2048xbf16>
    tpu.vector_store %arg16[%swap3A_803, %swap3A_804], %convert_element_type3A_802 {strides = array<i32>} : memref<2048x2048xbf16, #tpu.memory_space<vmem>>, vector<256x2048xbf16>,
    %iota3A_806 = tpu.iota {dimensions = array<i32: 0>} : vector<256x2048xi32>
    %add3A_807 = arith.constant 1792 : i32
    %add3A_808 = vector.broadcast %add3A_807 : i32 to vector<256x2048xi32>
    %add3A_809 = arith.addi %add3A_808, %iota3A_806 : vector<256x2048xi32>
    %iota3A_810 = tpu.iota {dimensions = array<i32: 0>} : vector<256x1xi32>
    %add3A_811 = arith.constant 1792 : i32
    %add3A_812 = vector.broadcast %add3A_811 : i32 to vector<256x1xi32>
    %add3A_813 = arith.addi %add3A_812, %iota3A_810 : vector<256x1xi32>
    %lt3A_814 = arith.constant 2000 : i32
    %lt3A_815 = vector.broadcast %lt3A_814 : i32 to vector<256x1xi32>
    %lt3A_816 = arith.cmpi slt, %add3A_813, %lt3A_815 : vector<256x1xi32>
    %get3A_817 = arith.constant 1792 : index
    %get3A_818 = arith.constant 0 : index
    %get3A_819 = vector.load %arg0[%get3A_817, %get3A_818] : memref<2048x1xf32, #tpu.memory_space<vmem>>, vector<256x1xf32>
    %jit3A_820 = arith.constant 0.000000e+00 : f32
    %broadcast_in_dim3A_821 = vector.broadcast %jit3A_820 : f32 to vector<256x1xf32>
    %select_n3A_822 = arith.select %lt3A_816, %get3A_819, %broadcast_in_dim3A_821 : vector<256x1xi1>, vector<256x1xf32>
    %get3A_823 = arith.constant 1792 : index
    %get3A_824 = arith.constant 0 : index
    %get3A_825 = vector.load %arg1[%get3A_823, %get3A_824] : memref<2048x1xf32, #tpu.memory_space<vmem>>, vector<256x1xf32>
    %jit3A_826 = arith.constant 0.000000e+00 : f32
    %broadcast_in_dim3A_827 = vector.broadcast %jit3A_826 : f32 to vector<256x1xf32>
    %select_n3A_828 = arith.select %lt3A_816, %get3A_825, %broadcast_in_dim3A_827 : vector<256x1xi1>, vector<256x1xf32>
    %get3A_829 = arith.constant 1792 : index
    %get3A_830 = arith.constant 0 : index
    %get3A_831 = vector.load %arg2[%get3A_829, %get3A_830] : memref<2048x1xf32, #tpu.memory_space<vmem>>, vector<256x1xf32>
    %jit3A_832 = arith.constant 0.000000e+00 : f32
    %broadcast_in_dim3A_833 = vector.broadcast %jit3A_832 : f32 to vector<256x1xf32>
    %select_n3A_834 = arith.select %lt3A_816, %get3A_831, %broadcast_in_dim3A_833 : vector<256x1xi1>, vector<256x1xf32>
    %get3A_835 = arith.constant 1792 : index
    %get3A_836 = arith.constant 0 : index
    %get3A_837 = vector.load %arg3[%get3A_835, %get3A_836] : memref<2048x1xf32, #tpu.memory_space<vmem>>, vector<256x1xf32>
    %jit3A_838 = arith.constant 0.000000e+00 : f32
    %broadcast_in_dim3A_839 = vector.broadcast %jit3A_838 : f32 to vector<256x1xf32>
    %select_n3A_840 = arith.select %lt3A_816, %get3A_837, %broadcast_in_dim3A_839 : vector<256x1xi1>, vector<256x1xf32>
    %get3A_841 = arith.constant 1792 : index
    %get3A_842 = arith.constant 0 : index
    %get3A_843 = vector.load %arg4[%get3A_841, %get3A_842] : memref<2048x1xf32, #tpu.memory_space<vmem>>, vector<256x1xf32>
    %jit3A_844 = arith.constant 0xFF800000 : f32
    %broadcast_in_dim3A_845 = vector.broadcast %jit3A_844 : f32 to vector<256x1xf32>
    %select_n3A_846 = arith.select %lt3A_816, %get3A_843, %broadcast_in_dim3A_845 : vector<256x1xi1>, vector<256x1xf32>
    %bitcast_convert_type3A_847 = tpu.bitcast %select_n3A_846 : vector<256x1xf32> -> vector<256x1xi32>
    %ge3A_848 = arith.constant 0 : i32
    %ge3A_849 = vector.broadcast %ge3A_848 : i32 to vector<256x1xi32>
    %ge3A_850 = arith.cmpi sge, %bitcast_convert_type3A_847, %ge3A_849 : vector<256x1xi32>
    %not3A_851 = arith.constant dense<-1> : vector<256x1xi32>
    %not3A_852 = arith.xori %bitcast_convert_type3A_847, %not3A_851 : vector<256x1xi32>
    %xor3A_853 = arith.constant -2147483648 : i32
    %xor3A_854 = vector.broadcast %xor3A_853 : i32 to vector<256x1xi32>
    %xor3A_855 = arith.xori %not3A_852, %xor3A_854 : vector<256x1xi32>
    %select_n3A_856 = arith.select %ge3A_850, %bitcast_convert_type3A_847, %xor3A_855 : vector<256x1xi1>, vector<256x1xi32>
    %jit3A_857 = arith.constant -2147483648 : i32
    %broadcast_in_dim3A_858 = vector.broadcast %jit3A_857 : i32 to vector<256x1xi32>
    %select_n3A_859 = arith.select %lt3A_816, %select_n3A_856, %broadcast_in_dim3A_858 : vector<256x1xi1>, vector<256x1xi32>
    %sub3A_860 = arith.subf %select_n3A_834, %select_n3A_822 : vector<256x1xf32>
    %sub3A_861 = arith.subf %select_n3A_840, %select_n3A_828 : vector<256x1xf32>
    %mul3A_862 = arith.mulf %sub3A_860, %sub3A_861 : vector<256x1xf32>
    %min3A_863 = vector.broadcast %select_n3A_834 : vector<256x1xf32> to vector<256x2048xf32>
    %min3A_864 = vector.broadcast %select_n3A_21 : vector<1x2048xf32> to vector<256x2048xf32>
    %min3A_865 = arith.minimumf %min3A_863, %min3A_864 : vector<256x2048xf32>
    %max3A_866 = vector.broadcast %select_n3A_822 : vector<256x1xf32> to vector<256x2048xf32>
    %max3A_867 = vector.broadcast %select_n3A_9 : vector<1x2048xf32> to vector<256x2048xf32>
    %max3A_868 = arith.maximumf %max3A_866, %max3A_867 : vector<256x2048xf32>
    %sub3A_869 = arith.subf %min3A_865, %max3A_868 : vector<256x2048xf32>
    %jit3A_870 = arith.constant 0.000000e+00 : f32
    %max3A_871 = vector.broadcast %jit3A_870 : f32 to vector<256x2048xf32>
    %max3A_872 = arith.maximumf %max3A_871, %sub3A_869 : vector<256x2048xf32>
    %min3A_873 = vector.broadcast %select_n3A_840 : vector<256x1xf32> to vector<256x2048xf32>
    %min3A_874 = vector.broadcast %select_n3A_27 : vector<1x2048xf32> to vector<256x2048xf32>
    %min3A_875 = arith.minimumf %min3A_873, %min3A_874 : vector<256x2048xf32>
    %max3A_876 = vector.broadcast %select_n3A_828 : vector<256x1xf32> to vector<256x2048xf32>
    %max3A_877 = vector.broadcast %select_n3A_15 : vector<1x2048xf32> to vector<256x2048xf32>
    %max3A_878 = arith.maximumf %max3A_876, %max3A_877 : vector<256x2048xf32>
    %sub3A_879 = arith.subf %min3A_875, %max3A_878 : vector<256x2048xf32>
    %jit3A_880 = arith.constant 0.000000e+00 : f32
    %max3A_881 = vector.broadcast %jit3A_880 : f32 to vector<256x2048xf32>
    %max3A_882 = arith.maximumf %max3A_881, %sub3A_879 : vector<256x2048xf32>
    %mul3A_883 = arith.mulf %max3A_872, %max3A_882 : vector<256x2048xf32>
    %add3A_884 = vector.broadcast %mul3A_862 : vector<256x1xf32> to vector<256x2048xf32>
    %add3A_885 = vector.broadcast %mul3A : vector<1x2048xf32> to vector<256x2048xf32>
    %add3A_886 = arith.addf %add3A_884, %add3A_885 : vector<256x2048xf32>
    %sub3A_887 = arith.subf %add3A_886, %mul3A_883 : vector<256x2048xf32>
    %add3A_888 = arith.constant 9.99999971E-10 : f32
    %add3A_889 = vector.broadcast %add3A_888 : f32 to vector<256x2048xf32>
    %add3A_890 = arith.addf %sub3A_887, %add3A_889 : vector<256x2048xf32>
    %div3A_891 = arith.divf %mul3A_883, %add3A_890 : vector<256x2048xf32>
    %gt3A_892 = vector.broadcast %select_n3A_859 : vector<256x1xi32> to vector<256x2048xi32>
    %gt3A_893 = vector.broadcast %select_n3A_36 : vector<1x2048xi32> to vector<256x2048xi32>
    %gt3A_894 = arith.cmpi sgt, %gt3A_892, %gt3A_893 : vector<256x2048xi32>
    %eq3A_895 = vector.broadcast %select_n3A_859 : vector<256x1xi32> to vector<256x2048xi32>
    %eq3A_896 = vector.broadcast %select_n3A_36 : vector<1x2048xi32> to vector<256x2048xi32>
    %eq3A_897 = arith.cmpi eq, %eq3A_895, %eq3A_896 : vector<256x2048xi32>
    %lt3A_898 = arith.cmpi slt, %add3A_809, %iota3A_38 : vector<256x2048xi32>
    %and3A_899 = arith.andi %eq3A_897, %lt3A_898 : vector<256x2048xi1>
    %or3A_900 = arith.ori %gt3A_894, %and3A_899 : vector<256x2048xi1>
    %convert_element_type3A_901 = arith.extui %or3A_900 : vector<256x2048xi1> to vector<256x2048xi32>
    %convert_element_type3A_902 = arith.sitofp %convert_element_type3A_901 : vector<256x2048xi32> to vector<256x2048xf32>
    %convert_element_type3A_903 = arith.truncf %convert_element_type3A_902 : vector<256x2048xf32> to vector<256x2048xbf16>
    %swap3A_904 = arith.constant 1792 : index
    %swap3A_905 = arith.constant 0 : index
    %swap3A_906 = vector.load %arg17[%swap3A_904, %swap3A_905] : memref<2048x2048xbf16, #tpu.memory_space<vmem>>, vector<256x2048xbf16>
    tpu.vector_store %arg17[%swap3A_904, %swap3A_905], %convert_element_type3A_903 {strides = array<i32>} : memref<2048x2048xbf16, #tpu.memory_space<vmem>>, vector<256x2048xbf16>,
    %gt3A_907 = arith.constant 0.699999988 : f32
    %gt3A_908 = vector.broadcast %gt3A_907 : f32 to vector<256x2048xf32>
    %gt3A_909 = arith.cmpf ogt, %div3A_891, %gt3A_908 : vector<256x2048xf32>
    %and3A_910 = arith.andi %or3A_900, %gt3A_909 : vector<256x2048xi1>
    %convert_element_type3A_911 = arith.extui %and3A_910 : vector<256x2048xi1> to vector<256x2048xi32>
    %convert_element_type3A_912 = arith.sitofp %convert_element_type3A_911 : vector<256x2048xi32> to vector<256x2048xf32>
    %convert_element_type3A_913 = arith.truncf %convert_element_type3A_912 : vector<256x2048xf32> to vector<256x2048xbf16>
    %swap3A_914 = arith.constant 1792 : index
    %swap3A_915 = arith.constant 0 : index
    %swap3A_916 = vector.load %arg16[%swap3A_914, %swap3A_915] : memref<2048x2048xbf16, #tpu.memory_space<vmem>>, vector<256x2048xbf16>
    tpu.vector_store %arg16[%swap3A_914, %swap3A_915], %convert_element_type3A_913 {strides = array<i32>} : memref<2048x2048xbf16, #tpu.memory_space<vmem>>, vector<256x2048xbf16>,
    %broadcast_in_dim3A_917 = arith.constant 1.000000e+00 : f32
    %broadcast_in_dim3A_918 = vector.broadcast %broadcast_in_dim3A_917 : f32 to vector<1x2048xf32>
    %while3A = arith.constant true
    %while3A_919:2 = scf.while (%while3A_1085 = %broadcast_in_dim3A_918, %while3A_1086 = %while3A) : (vector<1x2048xf32>, i1) -> (vector<1x2048xf32>, i1) {
      scf.condition(%while3A_1086) %while3A_1085, %while3A_1086 : vector<1x2048xf32>, i1
    } do {
    ^bb0(%while3A_1085: vector<1x2048xf32>, %while3A_1086: i1):
      %broadcast_in_dim3A_1087 = vector.shape_cast %while3A_1085 : vector<1x2048xf32> to vector<1x2048xf32>
      %broadcast_in_dim3A_1088 = vector.broadcast %broadcast_in_dim3A_1087 : vector<1x2048xf32> to vector<8x2048xf32>
      %convert_element_type3A_1089 = arith.truncf %broadcast_in_dim3A_1088 : vector<8x2048xf32> to vector<8x2048xbf16>
      %get3A_1090 = arith.constant 0 : index
      %get3A_1091 = arith.constant 0 : index
      %get3A_1092 = vector.load %arg16[%get3A_1090, %get3A_1091] : memref<2048x2048xbf16, #tpu.memory_space<vmem>>, vector<2048x2048xbf16>
      %dot_general3A_1093 = arith.constant dense<0.000000e+00> : vector<8x2048xf32>
      %dot_general3A_1094 = tpu.matmul %convert_element_type3A_1089, %get3A_1092, %dot_general3A_1093 {dimension_numbers = #tpu.dot_dimension_numbers<[1], [0], [0], [1], [0, 0, 1, 1], [], []>, transpose_lhs_hint = false} : vector<8x2048xbf16>, vector<2048x2048xbf16>, vector<8x2048xf32> -> vector<8x2048xf32>
      %slice3A_1095 = vector.extract_strided_slice %dot_general3A_1094 {offsets = [0, 0], sizes = [1, 2048], strides = [1, 1]} : vector<8x2048xf32> to vector<1x2048xf32>
      %gt3A_1096 = arith.constant 0.000000e+00 : f32
      %gt3A_1097 = vector.broadcast %gt3A_1096 : f32 to vector<1x2048xf32>
      %gt3A_1098 = arith.cmpf ogt, %slice3A_1095, %gt3A_1097 : vector<1x2048xf32>
      %jit3A_1099 = arith.constant 0.000000e+00 : f32
      %jit3A_1100 = arith.constant 1.000000e+00 : f32
      %broadcast_in_dim3A_1101 = vector.broadcast %jit3A_1099 : f32 to vector<1x2048xf32>
      %broadcast_in_dim3A_1102 = vector.broadcast %jit3A_1100 : f32 to vector<1x2048xf32>
      %select_n3A_1103 = arith.select %gt3A_1098, %broadcast_in_dim3A_1101, %broadcast_in_dim3A_1102 : vector<1x2048xi1>, vector<1x2048xf32>
      %ne3A = arith.cmpf one, %select_n3A_1103, %while3A_1085 : vector<1x2048xf32>
      %reduce_or3A = arith.constant 1.000000e+00 : f32
      %reduce_or3A_1104 = arith.constant 0.000000e+00 : f32
      %reduce_or3A_1105 = vector.broadcast %reduce_or3A : f32 to vector<1x2048xf32>
      %reduce_or3A_1106 = vector.broadcast %reduce_or3A_1104 : f32 to vector<1x2048xf32>
      %reduce_or3A_1107 = arith.select %ne3A, %reduce_or3A_1105, %reduce_or3A_1106 : vector<1x2048xi1>, vector<1x2048xf32>
      %reduce_or3A_1108 = vector.shape_cast %reduce_or3A_1107 : vector<1x2048xf32> to vector<1x1x2048xf32>
      %reduce_or3A_1109 = arith.constant dense<0xFF800000> : vector<1xf32>
      %reduce_or3A_1110 = vector.multi_reduction <maximumf>, %reduce_or3A_1108, %reduce_or3A_1109 [1, 2] : vector<1x1x2048xf32> to vector<1xf32>
      %reduce_or3A_1111 = vector.shape_cast %reduce_or3A_1110 : vector<1xf32> to vector<1x1x1xf32>
      %reduce_or3A_1112 = vector.extract %reduce_or3A_1111[0, 0, 0] : f32 from vector<1x1x1xf32>
      %reduce_or3A_1113 = arith.constant 0.000000e+00 : f32
      %reduce_or3A_1114 = arith.cmpf ogt, %reduce_or3A_1112, %reduce_or3A_1113 : f32
      scf.yield %select_n3A_1103, %reduce_or3A_1114 : vector<1x2048xf32>, i1
    }
    %gt3A_920 = arith.constant 0.000000e+00 : f32
    %gt3A_921 = vector.broadcast %gt3A_920 : f32 to vector<1x2048xf32>
    %gt3A_922 = arith.cmpf ogt, %while3A_919#0, %gt3A_921 : vector<1x2048xf32>
    %and3A_923 = arith.andi %gt3A_922, %lt3A_1 : vector<1x2048xi1>
    %convert_element_type3A_924 = arith.extui %and3A_923 : vector<1x2048xi1> to vector<1x2048xi32>
    %convert_element_type3A_925 = arith.sitofp %convert_element_type3A_924 : vector<1x2048xi32> to vector<1x2048xf32>
    %broadcast_in_dim3A_926 = vector.shape_cast %convert_element_type3A_925 : vector<1x2048xf32> to vector<1x2048xf32>
    %broadcast_in_dim3A_927 = vector.broadcast %broadcast_in_dim3A_926 : vector<1x2048xf32> to vector<8x2048xf32>
    %convert_element_type3A_928 = arith.truncf %broadcast_in_dim3A_927 : vector<8x2048xf32> to vector<8x2048xbf16>
    %get3A_929 = arith.constant 0 : index
    %get3A_930 = arith.constant 0 : index
    %get3A_931 = vector.load %arg17[%get3A_929, %get3A_930] : memref<2048x2048xbf16, #tpu.memory_space<vmem>>, vector<2048x2048xbf16>
    %dot_general3A = arith.constant dense<0.000000e+00> : vector<8x2048xf32>
    %dot_general3A_932 = tpu.matmul %convert_element_type3A_928, %get3A_931, %dot_general3A {dimension_numbers = #tpu.dot_dimension_numbers<[1], [0], [0], [1], [0, 0, 1, 1], [], []>, transpose_lhs_hint = false} : vector<8x2048xbf16>, vector<2048x2048xbf16>, vector<8x2048xf32> -> vector<8x2048xf32>
    %slice3A = vector.extract_strided_slice %dot_general3A_932 {offsets = [0, 0], sizes = [1, 2048], strides = [1, 1]} : vector<8x2048xf32> to vector<1x2048xf32>
    %gt3A_933 = arith.constant 0xFF800000 : f32
    %gt3A_934 = vector.broadcast %gt3A_933 : f32 to vector<1x2048xf32>
    %gt3A_935 = arith.cmpf ogt, %select_n3A, %gt3A_934 : vector<1x2048xf32>
    %and3A_936 = arith.andi %and3A_923, %gt3A_935 : vector<1x2048xi1>
    %lt3A_937 = arith.constant 1.000000e+03 : f32
    %lt3A_938 = vector.broadcast %lt3A_937 : f32 to vector<1x2048xf32>
    %lt3A_939 = arith.cmpf olt, %slice3A, %lt3A_938 : vector<1x2048xf32>
    %and3A_940 = arith.andi %and3A_936, %lt3A_939 : vector<1x2048xi1>
    %convert_element_type3A_941 = arith.extui %and3A_940 : vector<1x2048xi1> to vector<1x2048xi32>
    %convert_element_type3A_942 = arith.sitofp %convert_element_type3A_941 : vector<1x2048xi32> to vector<1x2048xf32>
    %reduce_sum3A = vector.shape_cast %convert_element_type3A_942 : vector<1x2048xf32> to vector<1x1x2048xf32>
    %reduce_sum3A_943 = arith.constant dense<0.000000e+00> : vector<1xf32>
    %reduce_sum3A_944 = vector.multi_reduction <add>, %reduce_sum3A, %reduce_sum3A_943 [1, 2] : vector<1x1x2048xf32> to vector<1xf32>
    %reduce_sum3A_945 = vector.shape_cast %reduce_sum3A_944 : vector<1xf32> to vector<1x1x1xf32>
    %reduce_sum3A_946 = vector.extract %reduce_sum3A_945[0, 0, 0] : f32 from vector<1x1x1xf32>
    %iota3A_947 = tpu.iota {dimensions = array<i32: 0>} : vector<256x2048xi32>
    %add3A_948 = arith.constant 0 : i32
    %add3A_949 = vector.broadcast %add3A_948 : i32 to vector<256x2048xi32>
    %add3A_950 = arith.addi %add3A_949, %iota3A_947 : vector<256x2048xi32>
    %lt3A_951 = arith.cmpi slt, %add3A_950, %iota3A_38 : vector<256x2048xi32>
    %convert_element_type3A_952 = arith.extui %lt3A_951 : vector<256x2048xi1> to vector<256x2048xi32>
    %convert_element_type3A_953 = arith.sitofp %convert_element_type3A_952 : vector<256x2048xi32> to vector<256x2048xf32>
    %convert_element_type3A_954 = arith.truncf %convert_element_type3A_953 : vector<256x2048xf32> to vector<256x2048xbf16>
    %swap3A_955 = arith.constant 0 : index
    %swap3A_956 = arith.constant 0 : index
    %swap3A_957 = vector.load %arg16[%swap3A_955, %swap3A_956] : memref<2048x2048xbf16, #tpu.memory_space<vmem>>, vector<256x2048xbf16>
    tpu.vector_store %arg16[%swap3A_955, %swap3A_956], %convert_element_type3A_954 {strides = array<i32>} : memref<2048x2048xbf16, #tpu.memory_space<vmem>>, vector<256x2048xbf16>,
    %iota3A_958 = tpu.iota {dimensions = array<i32: 0>} : vector<256x2048xi32>
    %add3A_959 = arith.constant 256 : i32
    %add3A_960 = vector.broadcast %add3A_959 : i32 to vector<256x2048xi32>
    %add3A_961 = arith.addi %add3A_960, %iota3A_958 : vector<256x2048xi32>
    %lt3A_962 = arith.cmpi slt, %add3A_961, %iota3A_38 : vector<256x2048xi32>
    %convert_element_type3A_963 = arith.extui %lt3A_962 : vector<256x2048xi1> to vector<256x2048xi32>
    %convert_element_type3A_964 = arith.sitofp %convert_element_type3A_963 : vector<256x2048xi32> to vector<256x2048xf32>
    %convert_element_type3A_965 = arith.truncf %convert_element_type3A_964 : vector<256x2048xf32> to vector<256x2048xbf16>
    %swap3A_966 = arith.constant 256 : index
    %swap3A_967 = arith.constant 0 : index
    %swap3A_968 = vector.load %arg16[%swap3A_966, %swap3A_967] : memref<2048x2048xbf16, #tpu.memory_space<vmem>>, vector<256x2048xbf16>
    tpu.vector_store %arg16[%swap3A_966, %swap3A_967], %convert_element_type3A_965 {strides = array<i32>} : memref<2048x2048xbf16, #tpu.memory_space<vmem>>, vector<256x2048xbf16>,
    %iota3A_969 = tpu.iota {dimensions = array<i32: 0>} : vector<256x2048xi32>
    %add3A_970 = arith.constant 512 : i32
    %add3A_971 = vector.broadcast %add3A_970 : i32 to vector<256x2048xi32>
    %add3A_972 = arith.addi %add3A_971, %iota3A_969 : vector<256x2048xi32>
    %lt3A_973 = arith.cmpi slt, %add3A_972, %iota3A_38 : vector<256x2048xi32>
    %convert_element_type3A_974 = arith.extui %lt3A_973 : vector<256x2048xi1> to vector<256x2048xi32>
    %convert_element_type3A_975 = arith.sitofp %convert_element_type3A_974 : vector<256x2048xi32> to vector<256x2048xf32>
    %convert_element_type3A_976 = arith.truncf %convert_element_type3A_975 : vector<256x2048xf32> to vector<256x2048xbf16>
    %swap3A_977 = arith.constant 512 : index
    %swap3A_978 = arith.constant 0 : index
    %swap3A_979 = vector.load %arg16[%swap3A_977, %swap3A_978] : memref<2048x2048xbf16, #tpu.memory_space<vmem>>, vector<256x2048xbf16>
    tpu.vector_store %arg16[%swap3A_977, %swap3A_978], %convert_element_type3A_976 {strides = array<i32>} : memref<2048x2048xbf16, #tpu.memory_space<vmem>>, vector<256x2048xbf16>,
    %iota3A_980 = tpu.iota {dimensions = array<i32: 0>} : vector<256x2048xi32>
    %add3A_981 = arith.constant 768 : i32
    %add3A_982 = vector.broadcast %add3A_981 : i32 to vector<256x2048xi32>
    %add3A_983 = arith.addi %add3A_982, %iota3A_980 : vector<256x2048xi32>
    %lt3A_984 = arith.cmpi slt, %add3A_983, %iota3A_38 : vector<256x2048xi32>
    %convert_element_type3A_985 = arith.extui %lt3A_984 : vector<256x2048xi1> to vector<256x2048xi32>
    %convert_element_type3A_986 = arith.sitofp %convert_element_type3A_985 : vector<256x2048xi32> to vector<256x2048xf32>
    %convert_element_type3A_987 = arith.truncf %convert_element_type3A_986 : vector<256x2048xf32> to vector<256x2048xbf16>
    %swap3A_988 = arith.constant 768 : index
    %swap3A_989 = arith.constant 0 : index
    %swap3A_990 = vector.load %arg16[%swap3A_988, %swap3A_989] : memref<2048x2048xbf16, #tpu.memory_space<vmem>>, vector<256x2048xbf16>
    tpu.vector_store %arg16[%swap3A_988, %swap3A_989], %convert_element_type3A_987 {strides = array<i32>} : memref<2048x2048xbf16, #tpu.memory_space<vmem>>, vector<256x2048xbf16>,
    %iota3A_991 = tpu.iota {dimensions = array<i32: 0>} : vector<256x2048xi32>
    %add3A_992 = arith.constant 1024 : i32
    %add3A_993 = vector.broadcast %add3A_992 : i32 to vector<256x2048xi32>
    %add3A_994 = arith.addi %add3A_993, %iota3A_991 : vector<256x2048xi32>
    %lt3A_995 = arith.cmpi slt, %add3A_994, %iota3A_38 : vector<256x2048xi32>
    %convert_element_type3A_996 = arith.extui %lt3A_995 : vector<256x2048xi1> to vector<256x2048xi32>
    %convert_element_type3A_997 = arith.sitofp %convert_element_type3A_996 : vector<256x2048xi32> to vector<256x2048xf32>
    %convert_element_type3A_998 = arith.truncf %convert_element_type3A_997 : vector<256x2048xf32> to vector<256x2048xbf16>
    %swap3A_999 = arith.constant 1024 : index
    %swap3A_1000 = arith.constant 0 : index
    %swap3A_1001 = vector.load %arg16[%swap3A_999, %swap3A_1000] : memref<2048x2048xbf16, #tpu.memory_space<vmem>>, vector<256x2048xbf16>
    tpu.vector_store %arg16[%swap3A_999, %swap3A_1000], %convert_element_type3A_998 {strides = array<i32>} : memref<2048x2048xbf16, #tpu.memory_space<vmem>>, vector<256x2048xbf16>,
    %iota3A_1002 = tpu.iota {dimensions = array<i32: 0>} : vector<256x2048xi32>
    %add3A_1003 = arith.constant 1280 : i32
    %add3A_1004 = vector.broadcast %add3A_1003 : i32 to vector<256x2048xi32>
    %add3A_1005 = arith.addi %add3A_1004, %iota3A_1002 : vector<256x2048xi32>
    %lt3A_1006 = arith.cmpi slt, %add3A_1005, %iota3A_38 : vector<256x2048xi32>
    %convert_element_type3A_1007 = arith.extui %lt3A_1006 : vector<256x2048xi1> to vector<256x2048xi32>
    %convert_element_type3A_1008 = arith.sitofp %convert_element_type3A_1007 : vector<256x2048xi32> to vector<256x2048xf32>
    %convert_element_type3A_1009 = arith.truncf %convert_element_type3A_1008 : vector<256x2048xf32> to vector<256x2048xbf16>
    %swap3A_1010 = arith.constant 1280 : index
    %swap3A_1011 = arith.constant 0 : index
    %swap3A_1012 = vector.load %arg16[%swap3A_1010, %swap3A_1011] : memref<2048x2048xbf16, #tpu.memory_space<vmem>>, vector<256x2048xbf16>
    tpu.vector_store %arg16[%swap3A_1010, %swap3A_1011], %convert_element_type3A_1009 {strides = array<i32>} : memref<2048x2048xbf16, #tpu.memory_space<vmem>>, vector<256x2048xbf16>,
    %iota3A_1013 = tpu.iota {dimensions = array<i32: 0>} : vector<256x2048xi32>
    %add3A_1014 = arith.constant 1536 : i32
    %add3A_1015 = vector.broadcast %add3A_1014 : i32 to vector<256x2048xi32>
    %add3A_1016 = arith.addi %add3A_1015, %iota3A_1013 : vector<256x2048xi32>
    %lt3A_1017 = arith.cmpi slt, %add3A_1016, %iota3A_38 : vector<256x2048xi32>
    %convert_element_type3A_1018 = arith.extui %lt3A_1017 : vector<256x2048xi1> to vector<256x2048xi32>
    %convert_element_type3A_1019 = arith.sitofp %convert_element_type3A_1018 : vector<256x2048xi32> to vector<256x2048xf32>
    %convert_element_type3A_1020 = arith.truncf %convert_element_type3A_1019 : vector<256x2048xf32> to vector<256x2048xbf16>
    %swap3A_1021 = arith.constant 1536 : index
    %swap3A_1022 = arith.constant 0 : index
    %swap3A_1023 = vector.load %arg16[%swap3A_1021, %swap3A_1022] : memref<2048x2048xbf16, #tpu.memory_space<vmem>>, vector<256x2048xbf16>
    tpu.vector_store %arg16[%swap3A_1021, %swap3A_1022], %convert_element_type3A_1020 {strides = array<i32>} : memref<2048x2048xbf16, #tpu.memory_space<vmem>>, vector<256x2048xbf16>,
    %iota3A_1024 = tpu.iota {dimensions = array<i32: 0>} : vector<256x2048xi32>
    %add3A_1025 = arith.constant 1792 : i32
    %add3A_1026 = vector.broadcast %add3A_1025 : i32 to vector<256x2048xi32>
    %add3A_1027 = arith.addi %add3A_1026, %iota3A_1024 : vector<256x2048xi32>
    %lt3A_1028 = arith.cmpi slt, %add3A_1027, %iota3A_38 : vector<256x2048xi32>
    %convert_element_type3A_1029 = arith.extui %lt3A_1028 : vector<256x2048xi1> to vector<256x2048xi32>
    %convert_element_type3A_1030 = arith.sitofp %convert_element_type3A_1029 : vector<256x2048xi32> to vector<256x2048xf32>
    %convert_element_type3A_1031 = arith.truncf %convert_element_type3A_1030 : vector<256x2048xf32> to vector<256x2048xbf16>
    %swap3A_1032 = arith.constant 1792 : index
    %swap3A_1033 = arith.constant 0 : index
    %swap3A_1034 = vector.load %arg16[%swap3A_1032, %swap3A_1033] : memref<2048x2048xbf16, #tpu.memory_space<vmem>>, vector<256x2048xbf16>
    tpu.vector_store %arg16[%swap3A_1032, %swap3A_1033], %convert_element_type3A_1031 {strides = array<i32>} : memref<2048x2048xbf16, #tpu.memory_space<vmem>>, vector<256x2048xbf16>,
    %not3A_1035 = arith.constant dense<true> : vector<1x2048xi1>
    %not3A_1036 = arith.xori %and3A_940, %not3A_1035 : vector<1x2048xi1>
    %convert_element_type3A_1037 = arith.extui %not3A_1036 : vector<1x2048xi1> to vector<1x2048xi32>
    %convert_element_type3A_1038 = arith.sitofp %convert_element_type3A_1037 : vector<1x2048xi32> to vector<1x2048xf32>
    %broadcast_in_dim3A_1039 = vector.shape_cast %convert_element_type3A_1038 : vector<1x2048xf32> to vector<1x2048xf32>
    %broadcast_in_dim3A_1040 = vector.broadcast %broadcast_in_dim3A_1039 : vector<1x2048xf32> to vector<8x2048xf32>
    %convert_element_type3A_1041 = arith.truncf %broadcast_in_dim3A_1040 : vector<8x2048xf32> to vector<8x2048xbf16>
    %get3A_1042 = arith.constant 0 : index
    %get3A_1043 = arith.constant 0 : index
    %get3A_1044 = vector.load %arg16[%get3A_1042, %get3A_1043] : memref<2048x2048xbf16, #tpu.memory_space<vmem>>, vector<2048x2048xbf16>
    %dot_general3A_1045 = arith.constant dense<0.000000e+00> : vector<8x2048xf32>
    %dot_general3A_1046 = tpu.matmul %convert_element_type3A_1041, %get3A_1044, %dot_general3A_1045 {dimension_numbers = #tpu.dot_dimension_numbers<[1], [0], [0], [1], [0, 0, 1, 1], [], []>, transpose_lhs_hint = false} : vector<8x2048xbf16>, vector<2048x2048xbf16>, vector<8x2048xf32> -> vector<8x2048xf32>
    %slice3A_1047 = vector.extract_strided_slice %dot_general3A_1046 {offsets = [0, 0], sizes = [1, 2048], strides = [1, 1]} : vector<8x2048xf32> to vector<1x2048xf32>
    %add3A_1048 = vector.broadcast %reduce_sum3A_946 : f32 to vector<1x2048xf32>
    %add3A_1049 = arith.addf %add3A_1048, %slice3A_1047 : vector<1x2048xf32>
    %select_n3A_1050 = arith.select %and3A_940, %slice3A, %add3A_1049 : vector<1x2048xi1>, vector<1x2048xf32>
    %convert_element_type3A_1051 = arith.fptosi %select_n3A_1050 : vector<1x2048xf32> to vector<1x2048xi32>
    %swap3A_1052 = arith.constant 0 : index
    %swap3A_1053 = arith.constant 0 : index
    %swap3A_1054 = vector.load %arg10[%swap3A_1052, %swap3A_1053] : memref<1x2048xi32, #tpu.memory_space<vmem>>, vector<1x2048xi32>
    tpu.vector_store %arg10[%swap3A_1052, %swap3A_1053], %convert_element_type3A_1051 {strides = array<i32>} : memref<1x2048xi32, #tpu.memory_space<vmem>>, vector<1x2048xi32>,
    %jit3A_1055 = arith.constant 0.000000e+00 : f32
    %broadcast_in_dim3A_1056 = vector.broadcast %jit3A_1055 : f32 to vector<1x2048xf32>
    %select_n3A_1057 = arith.select %and3A_940, %select_n3A_9, %broadcast_in_dim3A_1056 : vector<1x2048xi1>, vector<1x2048xf32>
    %swap3A_1058 = arith.constant 0 : index
    %swap3A_1059 = arith.constant 0 : index
    %swap3A_1060 = vector.load %arg11[%swap3A_1058, %swap3A_1059] : memref<1x2048xf32, #tpu.memory_space<vmem>>, vector<1x2048xf32>
    tpu.vector_store %arg11[%swap3A_1058, %swap3A_1059], %select_n3A_1057 {strides = array<i32>} : memref<1x2048xf32, #tpu.memory_space<vmem>>, vector<1x2048xf32>,
    %jit3A_1061 = arith.constant 0.000000e+00 : f32
    %broadcast_in_dim3A_1062 = vector.broadcast %jit3A_1061 : f32 to vector<1x2048xf32>
    %select_n3A_1063 = arith.select %and3A_940, %select_n3A_15, %broadcast_in_dim3A_1062 : vector<1x2048xi1>, vector<1x2048xf32>
    %swap3A_1064 = arith.constant 0 : index
    %swap3A_1065 = arith.constant 0 : index
    %swap3A_1066 = vector.load %arg12[%swap3A_1064, %swap3A_1065] : memref<1x2048xf32, #tpu.memory_space<vmem>>, vector<1x2048xf32>
    tpu.vector_store %arg12[%swap3A_1064, %swap3A_1065], %select_n3A_1063 {strides = array<i32>} : memref<1x2048xf32, #tpu.memory_space<vmem>>, vector<1x2048xf32>,
    %jit3A_1067 = arith.constant 0.000000e+00 : f32
    %broadcast_in_dim3A_1068 = vector.broadcast %jit3A_1067 : f32 to vector<1x2048xf32>
    %select_n3A_1069 = arith.select %and3A_940, %select_n3A_21, %broadcast_in_dim3A_1068 : vector<1x2048xi1>, vector<1x2048xf32>
    %swap3A_1070 = arith.constant 0 : index
    %swap3A_1071 = arith.constant 0 : index
    %swap3A_1072 = vector.load %arg13[%swap3A_1070, %swap3A_1071] : memref<1x2048xf32, #tpu.memory_space<vmem>>, vector<1x2048xf32>
    tpu.vector_store %arg13[%swap3A_1070, %swap3A_1071], %select_n3A_1069 {strides = array<i32>} : memref<1x2048xf32, #tpu.memory_space<vmem>>, vector<1x2048xf32>,
    %jit3A_1073 = arith.constant 0.000000e+00 : f32
    %broadcast_in_dim3A_1074 = vector.broadcast %jit3A_1073 : f32 to vector<1x2048xf32>
    %select_n3A_1075 = arith.select %and3A_940, %select_n3A_27, %broadcast_in_dim3A_1074 : vector<1x2048xi1>, vector<1x2048xf32>
    %swap3A_1076 = arith.constant 0 : index
    %swap3A_1077 = arith.constant 0 : index
    %swap3A_1078 = vector.load %arg14[%swap3A_1076, %swap3A_1077] : memref<1x2048xf32, #tpu.memory_space<vmem>>, vector<1x2048xf32>
    tpu.vector_store %arg14[%swap3A_1076, %swap3A_1077], %select_n3A_1075 {strides = array<i32>} : memref<1x2048xf32, #tpu.memory_space<vmem>>, vector<1x2048xf32>,
    %jit3A_1079 = arith.constant 0.000000e+00 : f32
    %broadcast_in_dim3A_1080 = vector.broadcast %jit3A_1079 : f32 to vector<1x2048xf32>
    %select_n3A_1081 = arith.select %and3A_940, %select_n3A, %broadcast_in_dim3A_1080 : vector<1x2048xi1>, vector<1x2048xf32>
    %swap3A_1082 = arith.constant 0 : index
    %swap3A_1083 = arith.constant 0 : index
    %swap3A_1084 = vector.load %arg15[%swap3A_1082, %swap3A_1083] : memref<1x2048xf32, #tpu.memory_space<vmem>>, vector<1x2048xf32>
    tpu.vector_store %arg15[%swap3A_1082, %swap3A_1083], %select_n3A_1081 {strides = array<i32>} : memref<1x2048xf32, #tpu.memory_space<vmem>>, vector<1x2048xf32>,
    return
  }
}

</mosaic_0001>

<sc_bundles>
// kernel: kernel.6.cloned.1.call-start
scs
__scs_entry_jumppad:
0x0: {  	(pc) =	sbr.rel $0x88, $3  }
0x1: {  	(tag) =	ssettag $0x0;
	lr =	simm.s32 $0x1  }
0x2: {  	[smem:$0x3F9E] =	sst lr;
	_ =	strace $0xD0000000  }
0x3: {  	_ = 	snop  }
0x4: {  	_ = 	snop  }
0x5: {  	_ = 	snop  }
0x6: {  	_ = 	snop  }
0x7: {  	_ = 	snop  }
__scs_overlays_trampoline_lowered:
0x8: {  	[smem:$0x3FAD] =	sst s0  }
0x9: {  	[smem:$0x3FAE] =	sst s1  }
0xa: {  	[smem:$0x3FAF] =	sst s2  }
0xb: {  	[smem:$0x3FB0] =	sst s3  }
0xc: {  	[smem:$0x3FB1] =	sst s4  }
0xd: {  	[smem:$0x3FB2] =	sst s5  }
0xe: {  	[smem:$0x3FB3] =	sst s6  }
0xf: {  	[smem:$0x3FB4] =	sst s7  }
0x10: {  	[smem:$0x3FB5] =	sst s8  }
0x11: {  	[smem:$0x3FB6] =	sst s9;
	s0 =	simm.s32 @!p0 $0x0  }
0x12: {  	s1 =	sld [smem:$0x3F9C];
	s0 =	simm.s32 @p0 $0x1  }
0x13: {  	[smem:$0x3FB7] =	sst s0;
	s0 =	simm.s32 @!p1 $0x0  }
0x14: {  	s2 =	sld [smem:$0x3F9B];
	s0 =	simm.s32 @p1 $0x1  }
0x15: {  	[smem:$0x3FB8] =	sst s0;
	s0 =	simm.s32 @!p2 $0x0  }
0x16: {  	s3 =	sld [smem:$0x3FDB];
	s0 =	simm.s32 @p2 $0x1  }
0x17: {  	s4 =	simm.s32 $0x1BF5;
	[smem:$0x3FBA] =	sst s0  }
0x18: {  	s0 =	sld [smem:$0x3F9D];
	_ =	swait.ge [sflag:s4], $0x0  }
0x19: {  	s7 =	sld [smem:$0x3F9E]  }
0x1a: {  	s8 =	sadd.s32 $0xFFFFE003, lr  }
0x1b: {  	s9 =	sadd.s32 $0xFFFFFEF7, lr;
	s5 =	simm.s32 $0xFFFFFFFF;
	p2 =	slt.u32 s8, $0xFFFFF086  }
0x1c: {  	p1 =	slt.u32 s9, $0xF7A;
	s5 =	simm.s32 @!p2 $0x0  }
0x1d: {  	s5 =	simm.s32 @p1 $0x1;
	p0 =	seq.s32 s7, s2  }
0x1e: {  	s7 =	smul.u32 @!p0 $0xF7A, s2;
	p2 =	seq.s32 @!p0 s5, $0x0  }
0x1f: {  	s9 =	smul.u32 $0xF7A, s1;
	s8 =	simm.s32 @!p0 $0x1BF5;
	p2 =	por !p2, p0  }
0x20: {  	[sflag:s8] =	ssyncset.s32 @!p0 $0xFFFFF086;
	s6 =	sadd.s32 @!p0 s3, s7;
	s7 =	simm.s32 @!p0 $0x108  }
0x21: {  	s3 =	sadd.s32 s3, s9;
	s6 =	sadd.s32 @!p0 $0x88, s6;
	s7 =	simm.s32 @p2 $0x1082  }
0x22: {  	[simem:s7], [sflag:s8] =	dma.local @!p0 [hbm:s6], $0xF7A  }
0x23: {  	s9 =	sor.u32 $0xD0000000, s2;
	s6 =	simm.s32 $0x108;
	_ =	swait.ge @!p0 [sflag:s8], $0x0  }
0x24: {  	s3 =	sadd.s32 $0x88, s3;
	s6 =	simm.s32 @!p1 $0x1082;
	[sflag:s4] =	ssyncset.s32 $0xFFFFF086  }
0x25: {  	[simem:s6], [sflag:s4] =	dma.local [hbm:s3], $0xF7A  }
0x26: {  	[smem:$0x3F9E] =	sst s1;
	(tag) =	ssettag s2;
	_ =	strace s9  }
0x27: {  	s1 =	sld [smem:$0x3FAE]  }
0x28: {  	s2 =	sld [smem:$0x3FAF]  }
0x29: {  	s4 =	sld [smem:$0x3FB1]  }
0x2a: {  	p0 =	seq.s32 s5, $0x0;
	s5 =	sld [smem:$0x3FB2]  }
0x2b: {  	s6 =	sld [smem:$0x3FB3]  }
0x2c: {  	s7 =	sld [smem:$0x3FB4]  }
0x2d: {  	s3 =	simm.s32 $0x108;
	s8 =	sld [smem:$0x3FB5]  }
0x2e: {  	s3 =	simm.s32 @!p0 $0x1082;
	s9 =	sld [smem:$0x3FB6]  }
0x2f: {  	lr =	sadd.s32 s0, s3;
	s0 =	sld [smem:$0x3FAD]  }
0x30: {  	s3 =	sld [smem:$0x3FB0]  }
0x31: {  	[smem:$0x3FB9] =	sst s10  }
0x32: {  	s10 =	sld [smem:$0x3FB7];
	_ =	sdelay $0x3  }
0x33: {  	p0 =	seq.s32 s10, $0x1;
	s10 =	sld [smem:$0x3FB9];
	_ =	sdelay $0x3  }
0x34: {  	[smem:$0x3FB9] =	sst s10  }
0x35: {  	s10 =	sld [smem:$0x3FB8];
	_ =	sdelay $0x3  }
0x36: {  	p1 =	seq.s32 s10, $0x1;
	s10 =	sld [smem:$0x3FB9];
	_ =	sdelay $0x3  }
0x37: {  	[smem:$0x3FB9] =	sst s10  }
0x38: {  	s10 =	sld [smem:$0x3FBA]  }
0x39: {  	_ = 	snop;
	(pc) =	sbr.ind lr, $3  }
0x3a: {  	_ = 	snop  }
0x3b: {  	_ = 	snop  }
0x3c: {  	p2 =	seq.s32 s10, $0x1;
	s10 =	sld [smem:$0x3FB9]  }
0x3d: {  	_ =	shalt  }
0x3e: {  	_ =	shalt  }
0x3f: {  	_ =	shalt  }
0x40: {  	_ =	shalt  }
0x41: {  	_ =	shalt  }
0x42: {  	_ =	shalt  }
0x43: {  	_ =	shalt  }
0x44: {  	_ =	shalt  }
0x45: {  	_ =	shalt  }
0x46: {  	_ =	shalt  }
0x47: {  	_ =	shalt  }
0x48: {  	_ =	shalt  }
0x49: {  	_ =	shalt  }
0x4a: {  	_ =	shalt  }
0x4b: {  	_ =	shalt  }
0x4c: {  	_ =	shalt  }
0x4d: {  	_ =	shalt  }
0x4e: {  	_ =	shalt  }
0x4f: {  	_ =	shalt  }
0x50: {  	_ =	shalt  }
0x51: {  	_ =	shalt  }
0x52: {  	_ =	shalt  }
0x53: {  	_ =	shalt  }
0x54: {  	_ =	shalt  }
0x55: {  	_ =	shalt  }
0x56: {  	_ =	shalt  }
0x57: {  	_ =	shalt  }
0x58: {  	_ =	shalt  }
0x59: {  	_ =	shalt  }
0x5a: {  	_ =	shalt  }
0x5b: {  	_ =	shalt  }
0x5c: {  	_ =	shalt  }
0x5d: {  	_ =	shalt  }
0x5e: {  	_ =	shalt  }
0x5f: {  	_ =	shalt  }
0x60: {  	_ =	shalt  }
0x61: {  	_ =	shalt  }
0x62: {  	_ =	shalt  }
0x63: {  	_ =	shalt  }
0x64: {  	_ =	shalt  }
0x65: {  	_ =	shalt  }
0x66: {  	_ =	shalt  }
0x67: {  	_ =	shalt  }
0x68: {  	_ =	shalt  }
0x69: {  	_ =	shalt  }
0x6a: {  	_ =	shalt  }
0x6b: {  	_ =	shalt  }
0x6c: {  	_ =	shalt  }
0x6d: {  	_ =	shalt  }
0x6e: {  	_ =	shalt  }
0x6f: {  	_ =	shalt  }
0x70: {  	_ =	shalt  }
0x71: {  	_ =	shalt  }
0x72: {  	_ =	shalt  }
0x73: {  	_ =	shalt  }
0x74: {  	_ =	shalt  }
0x75: {  	_ =	shalt  }
0x76: {  	_ =	shalt  }
0x77: {  	_ =	shalt  }
0x78: {  	_ =	shalt  }
0x79: {  	_ =	shalt  }
0x7a: {  	_ =	shalt  }
0x7b: {  	_ =	shalt  }
0x7c: {  	_ =	shalt  }
0x7d: {  	_ =	shalt  }
0x7e: {  	_ =	shalt  }
0x7f: {  	_ =	shalt  }
0x80: {  	_ =	shalt  }
0x81: {  	_ =	shalt  }
0x82: {  	_ =	shalt  }
0x83: {  	_ =	shalt  }
0x84: {  	_ =	shalt  }
0x85: {  	_ =	shalt  }
0x86: {  	_ =	shalt  }
0x87: {  	_ =	shalt  }
.Lfunc_end0:
.L_simem_size_0:
called_computation_lowered:
.L_overlay_start_0:
0x88: {  	s2 =	sld [smem:$0x3FD9]  }
0x89: {  	s3 =	sld [smem:$0x3FFE];
	_ =	sdelay $0x1  }
0x8a: {  	s1 =	srdreg.scid  }
0x8b: {  	s0 =	sand.u32 $0x1, s1  }
0x8c: {  	s16 =	sshll.u32 s0, $0xA;
	s2 =	sadd.s32 s3, s2  }
0x8d: {  	s2 =	sadd.s32 s2, s16  }
0x8e: {  	[smem:$0x3FC5] =	sst s2  }
0x8f: {  	_ = 	snop  }
0x90: {  	(tm) =	ssettm $0x1  }
0x91: {  	s17 =	sld [smem:$0x3FFB];
	_ =	sdelay $0x3  }
0x92: {  	_ =	strace s17  }
0x93: {  	s2 =	sld [smem:$0x3FFC];
	_ =	sdelay $0x3  }
0x94: {  	_ =	strace s2  }
0x95: {  	s2 =	sld [smem:$0x3FFD];
	_ =	sdelay $0x3  }
0x96: {  	_ =	strace s2  }
0x97: {  	_ =	strace $0x8FFFFFFF  }
0x98: {  	s18 =	sld [smem:$0x3FDB];
	_ =	sdelay $0x1  }
0x99: {  	s19 =	simm.s32 $_scs_section_size  }
0x9a: {  	s4 =	simm.s32 $_size__tile_overlayer_lowered;
	s5 =	simm.s32 $_tile_overlayer_lowered  }
0x9b: {  	s22 =	simm.s32 $0x1BFF;
	s21 =	sshll.u32 s5, $0x1;
	s2 =	sadd.s32 s19, s18  }
0x9c: {  	s6 =	simm.s32 $0x0;
	s20 =	sshll.u32 s4, $0x1;
	s4 =	sadd.s32 s21, s2  }
0x9d: {  	[timem:s6], [sflag:s22] =	dma.local [hbm:s4], s20  }
0x9e: {  	_ =	swait.ge [sflag:s22], s20  }
0x9f: {  	s3 =	ssub.s32 $0x0, s20;
	[sflag:s22] =	ssyncset.done $0x0  }
0xa0: {  	[sflag:s22] =	ssyncadd.s32 s3;
	_ =	sdelay $0x1  }
0xa1: {  	s23 =	simm.s32 $0x1B8B  }
0xa2: {  	_ =	swait.ge [sflag:s23], $0x1  }
0xa3: {  	[sflag:s23] =	ssyncset.done $0x0  }
0xa4: {  	s25 =	simm.s32 $0x1B8E;
	s24 =	sld [smem:$0x3FFE];
	[sflag:s23] =	ssyncadd.s32 $0xFFFFFFFF  }
0xa5: {  	s26 =	simm.s32 $execute0_lowered;
	[smem:$0x3FD2] =	sst s25  }
0xa6: {  	s4 =	sshll.u32 s26, $0x1;
	_ =	strace $0x80000046;
	[dreg:$0x1] =	wrdreg $0xFFFFFFFF  }
0xa7: {  	s28 =	simm.s32 $_size_execute0_lowered;
	s2 =	sadd.s32 s2, s4;
	[dreg:$0x0] =	wrdreg $0x0  }
0xa8: {  	s4 =	sshll.u32 s28, $0x1;
	[dreg:$0x2] =	wrdreg s2  }
0xa9: {  	[dreg:$0x3] =	wrdreg s4  }
0xaa: {  	[dreg:$0x4] =	wrdreg $0xC0  }
0xab: {  	_ =	task [dreg:s6], $0x5FFFF  }
0xac: {  	[dreg:$0x1] =	wrdreg $0xFFFFFFFF  }
0xad: {  	[dreg:$0x0] =	wrdreg $0x60  }
0xae: {  	[dreg:$0x2] =	wrdreg s24  }
0xaf: {  	[dreg:$0x3] =	wrdreg $0x9  }
0xb0: {  	_ =	task.clear_ibuf [dreg:s6], $0x4FFFF;
	_ =	strace $0x90000046  }
0xb1: {  	s29 =	simm.s32 $0x9;
	_ =	strace $0x80000048  }
0xb2: {  	_ =	swait.ge [sflag:s29], $0x1  }
0xb3: {  	[sflag:s29] =	ssyncadd.s32 $0xFFFFFFFF  }
0xb4: {  	_ =	strace $0x90000048  }
0xb5: {  	_ =	sfence  }
0xb6: {  	s30 =	sld [smem:$0x0];
	_ =	sdelay $0x2  }
0xb7: {  	s31 =	sshll.u32 s1, $0xD;
	s1 =	sshrl.u32 s1, $0x2  }
0xb8: {  	s3 =	sand.u32 $0x4000, s31;
	s1 =	sadd.s32 s1, s30  }
0xb9: {  	s0 =	sor.u32 s3, s0;
	s1 =	sshll.u32 s1, $0x11  }
0xba: {  	s0 =	sor.u32 s1, s0  }
0xbb: {  	s0 =	sadd.s32 $0x8F2B, s0  }
0xbc: {  	[sflag:s0] =	ssyncadd.remote.s32 $0x1  }
0xbd: {  	_ =	sfence.sel $0xFFFF  }
0xbe: {  	[dreg:$0x0] =	wrdreg $0xFFFFFFFF;
	(pc) =	sbr.abs _section_cstart, $3  }
0xbf: {  	[dreg:$0x1] =	wrdreg $0xFFFFFFFF  }
0xc0: {  	_ =	task.clear_ibuf [dreg:s6], $0x2FFFF;
	_ =	strace $0x9FFFFFFF  }
0xc1: {  	(tm) =	ssettm $0x7FFFFFFF  }
tec
execute0_lowered:
.L_overlay_start_1:
0x0: {  	(tag) =	ssettag $0x1  }
0x1: {  	s1 =	srdreg.scid;
	s0 =	stileid.u32  }
0x2: {  	s14 =	sand.u32 $0x1, s1;
	s30 =	sshll.u32 s0, $0x1  }
0x3: {  	s3 =	sor.u32 s14, s30  }
0x4: {  	s7 =	smul.u32 $0x5, s3;
	_ =	sdelay $0x1  }
0x5: {  	s8 =	rddreg [dreg:$0x0];
	s2 =	simm.s32 $0x0;
	s4 =	sand.u32 $0xF8, s7  }
0x6: {  	[smem:$0x7FF] =	sst s2;
	s9 =	smin.u32 s4, $0x90  }
0x7: {  	s1 =	rddreg [dreg:$0x1];
	_ =	strace $0x80000047;
	s4 =	sshll.u32 s9, $0x4  }
0x8: {  	s5 =	smul.u32 $0x280, s3;
	s3 =	simm.s32 $0x1;
	s4 =	sadd.s32 s8, s4  }
0x9: {  	[tilespmem:s2], [sflag:$0x1] =	stream.linear.gather [hbm4b:s4+s2], $0x800, $0x38;
	[tilespmem:$0x1C00] =	vst v63  }
0xa: {  	_ =	swait.ge [sflag:s3], $0x800  }
0xb: {  	s5 =	sadd.s32 s5, s8;
	[sflag:s3] =	ssyncset.done $0x0  }
0xc: {  	s6 =	simm.s32 $0x800;
	s5 =	sadd.s32 $0xA00, s5;
	[sflag:s3] =	ssyncadd.s32 $0xFFFFF800  }
0xd: {  	[tilespmem:s6], [sflag:$0x1] =	stream.linear.gather [hbm4b:s5+s2], $0x1400, $0x38;
	[tilespmem:$0x1C00] =	vst v63  }
0xe: {  	s9 =	ssub.s32 s7, s9;
	_ =	swait.ge [sflag:s3], $0x1400  }
0xf: {  	s7 =	sadd.s32 $0x5A00, s8;
	s16 =	sshll.u32 s9, $0x9;
	[sflag:s3] =	ssyncset.done $0x0  }
0x10: {  	s9 =	simm.s32 $0x80;
	s8 =	sshra.s32 s16, $0x2;
	[sflag:s3] =	ssyncadd.s32 $0xFFFFEC00  }
0x11: {  	[hbm4b:s7+s9] =	stream.indirect.scatter [tilespmem:s6], [sflag:$0x1], $0x8, s8, s9, $0xb8;
	[tilespmem:$0x1C00] =	vst v63  }
0x12: {  	_ =	swait.ge [sflag:s3], $0x400  }
0x13: {  	s10 =	sadd.s32 $0x200, s16;
	[sflag:s3] =	ssyncset.done $0x0  }
0x14: {  	s11 =	simm.s32 $0xC00;
	s10 =	sshra.s32 s10, $0x2;
	[sflag:s3] =	ssyncadd.s32 $0xFFFFFC00  }
0x15: {  	[hbm4b:s7+s9] =	stream.indirect.scatter [tilespmem:s11], [sflag:$0x1], $0x8, s10, s9, $0xb8;
	[tilespmem:$0x1C00] =	vst v63  }
0x16: {  	_ =	swait.ge [sflag:s3], $0x400  }
0x17: {  	s13 =	simm.s32 $0x1000;
	s12 =	sadd.s32 $0x400, s16;
	[sflag:s3] =	ssyncset.done $0x0  }
0x18: {  	s17 =	ssub.s32 $0x2, s14;
	s12 =	sshra.s32 s12, $0x2;
	[sflag:s3] =	ssyncadd.s32 $0xFFFFFC00  }
0x19: {  	[hbm4b:s7+s9] =	stream.indirect.scatter [tilespmem:s13], [sflag:$0x1], $0x8, s12, s9, $0xb8;
	[tilespmem:$0x1C00] =	vst v63  }
0x1a: {  	s15 =	simm.s32 $0x1400;
	s18 =	sshrl.u32 s17, $0x1;
	_ =	swait.ge [sflag:s3], $0x400  }
0x1b: {  	s17 =	ssub.s32 s17, s18;
	s31 =	sadd.s32 $0x600, s16;
	[sflag:s3] =	ssyncset.done $0x0  }
0x1c: {  	s18 =	smax.u32 s17, $0x1;
	s14 =	sshra.s32 s31, $0x2;
	[sflag:s3] =	ssyncadd.s32 $0xFFFFFC00  }
0x1d: {  	[hbm4b:s7+s9] =	stream.indirect.scatter [tilespmem:s15], [sflag:$0x1], $0x8, s14, s9, $0xb8;
	[tilespmem:$0x1C00] =	vst v63  }
0x1e: {  	p0 =	sne.s32 s18, $0x1;
	_ =	swait.ge [sflag:s3], $0x400  }
.Ltmp0:
0x1f: {  	s16 =	sadd.s32 $0x800, s16;
	[sflag:s3] =	ssyncset.done $0x0;
	(pc) =	sbr.rel @!p0 .LBB2_2-.Ltmp0, $4  }
0x20: {  	s17 =	simm.s32 $0x1800;
	s16 =	sshra.s32 s16, $0x2;
	[sflag:s3] =	ssyncadd.s32 $0xFFFFFC00  }
0x21: {  	[hbm4b:s7+s9] =	stream.indirect.scatter [tilespmem:s17], [sflag:$0x1], $0x8, s16, s9, $0xb8;
	[tilespmem:$0x1C00] =	vst v63  }
0x22: {  	_ =	swait.ge [sflag:s3], $0x400  }
0x23: {  	s18 =	sadd.s32 $0xFFFFFFFF, s18;
	[sflag:s3] =	ssyncset.done $0x0  }
.LBB2_1:
0x24: {  	p0 =	sne.s32 s18, $0x1;
	s18 =	sadd.s32 $0xFFFFFFFF, s18;
	[sflag:s3] =	ssyncadd.s32 $0xFFFFFC00  }
0x25: {  	[tilespmem:s2], [sflag:$0x1] =	stream.linear.gather [hbm4b:s4+s2], $0x800, $0x38;
	[tilespmem:$0x1C00] =	vst v63  }
0x26: {  	_ =	swait.ge [sflag:s3], $0x800  }
0x27: {  	[sflag:s3] =	ssyncset.done $0x0  }
0x28: {  	[sflag:s3] =	ssyncadd.s32 $0xFFFFF800  }
0x29: {  	[tilespmem:s6], [sflag:$0x1] =	stream.linear.gather [hbm4b:s5+s2], $0x1400, $0x38;
	[tilespmem:$0x1C00] =	vst v63  }
0x2a: {  	_ =	swait.ge [sflag:s3], $0x1400  }
0x2b: {  	[sflag:s3] =	ssyncset.done $0x0  }
0x2c: {  	[sflag:s3] =	ssyncadd.s32 $0xFFFFEC00  }
0x2d: {  	[hbm4b:s7+s9] =	stream.indirect.scatter [tilespmem:s6], [sflag:$0x1], $0x8, s8, s9, $0xb8;
	[tilespmem:$0x1C00] =	vst v63  }
0x2e: {  	_ =	swait.ge [sflag:s3], $0x400  }
0x2f: {  	[sflag:s3] =	ssyncset.done $0x0  }
0x30: {  	[sflag:s3] =	ssyncadd.s32 $0xFFFFFC00  }
0x31: {  	[hbm4b:s7+s9] =	stream.indirect.scatter [tilespmem:s11], [sflag:$0x1], $0x8, s10, s9, $0xb8;
	[tilespmem:$0x1C00] =	vst v63  }
0x32: {  	_ =	swait.ge [sflag:s3], $0x400  }
0x33: {  	[sflag:s3] =	ssyncset.done $0x0  }
0x34: {  	[sflag:s3] =	ssyncadd.s32 $0xFFFFFC00  }
0x35: {  	[hbm4b:s7+s9] =	stream.indirect.scatter [tilespmem:s13], [sflag:$0x1], $0x8, s12, s9, $0xb8;
	[tilespmem:$0x1C00] =	vst v63  }
0x36: {  	_ =	swait.ge [sflag:s3], $0x400  }
0x37: {  	[sflag:s3] =	ssyncset.done $0x0  }
0x38: {  	[sflag:s3] =	ssyncadd.s32 $0xFFFFFC00  }
0x39: {  	[hbm4b:s7+s9] =	stream.indirect.scatter [tilespmem:s15], [sflag:$0x1], $0x8, s14, s9, $0xb8;
	[tilespmem:$0x1C00] =	vst v63  }
0x3a: {  	_ =	swait.ge [sflag:s3], $0x400  }
.Ltmp1:
0x3b: {  	[sflag:s3] =	ssyncset.done $0x0;
	(pc) =	sbr.rel @p0 .LBB2_1-.Ltmp1, $4  }
0x3c: {  	[sflag:s3] =	ssyncadd.s32 $0xFFFFFC00  }
0x3d: {  	[hbm4b:s7+s9] =	stream.indirect.scatter [tilespmem:s17], [sflag:$0x1], $0x8, s16, s9, $0xb8;
	[tilespmem:$0x1C00] =	vst v63  }
0x3e: {  	_ =	swait.ge [sflag:s3], $0x400  }
0x3f: {  	[sflag:s3] =	ssyncset.done $0x0  }
.LBB2_2:
0x40: {  	[sflag:s3] =	ssyncadd.s32 $0xFFFFFC00  }
0x41: {  	_ =	sfence.sel $0x180000  }
0x42: {  	[bflag:$0x0] =	sbarrier.arrive $0xFFFF  }
0x43: {  	p0 =	sne.s32 s0, $0x0;
	_ =	strace $0x90000047  }
0x44: {  	s0 =	sadd.s32 @!p0 $0x100000, s1;
	[bflag:$0x2] =	sbarrier.arrive $0xFFFF  }
0x45: {  	[sflag:s0] =	ssyncadd.tile.s32 @!p0 $0x1;
	_ =	shalt  }
.Lfunc_end2:
_tile_overlayer_lowered:
.L_overlay_start_2:
0x46: {  	(tag) =	ssettag $0x2  }
0x47: {  	s0 =	rddreg [dreg:$0x0];
	s2 =	stileid.u32  }
0x48: {  	s1 =	rddreg [dreg:$0x1];
	p0 =	sne.s32 s2, $0x0  }
0x49: {  	s3 =	rddreg [dreg:$0x2];
	[bflag:$0x3] =	sbarrier.arrive $0xFFFF;
	s2 =	simm.s32 @!p0 $0x1C01  }
0x4a: {  	[timem:s3], [sflag:s2] =	dma.local @!p0 [hbm:s0], s1  }
0x4b: {  	s0 =	simm.s32 @!p0 $0x1  }
0x4c: {  	_ =	swait.ge @!p0 [sflag:s0], s1  }
0x4d: {  	s1 =	ssub.s32 @!p0 $0x0, s1;
	[sflag:s0] =	ssyncset.done @!p0 $0x0  }
0x4e: {  	[sflag:s0] =	ssyncadd.s32 @!p0 s1  }
0x4f: {  	[bflag:$0x3] =	sbarrier.arrive $0xFFFF  }
0x50: {  	_ =	shalt  }

// kernel: kernel.9.cloned.1.call-start
scs
__scs_entry_jumppad:
0x0: {  	(pc) =	sbr.rel $0x88, $3  }
0x1: {  	(tag) =	ssettag $0x0;
	lr =	simm.s32 $0x1  }
0x2: {  	[smem:$0x3F9E] =	sst lr;
	_ =	strace $0xD0000000  }
0x3: {  	_ = 	snop  }
0x4: {  	_ = 	snop  }
0x5: {  	_ = 	snop  }
0x6: {  	_ = 	snop  }
0x7: {  	_ = 	snop  }
__scs_overlays_trampoline_lowered:
0x8: {  	[smem:$0x3FAD] =	sst s0  }
0x9: {  	[smem:$0x3FAE] =	sst s1  }
0xa: {  	[smem:$0x3FAF] =	sst s2  }
0xb: {  	[smem:$0x3FB0] =	sst s3  }
0xc: {  	[smem:$0x3FB1] =	sst s4  }
0xd: {  	[smem:$0x3FB2] =	sst s5  }
0xe: {  	[smem:$0x3FB3] =	sst s6  }
0xf: {  	[smem:$0x3FB4] =	sst s7  }
0x10: {  	[smem:$0x3FB5] =	sst s8  }
0x11: {  	[smem:$0x3FB6] =	sst s9;
	s0 =	simm.s32 @!p0 $0x0  }
0x12: {  	s1 =	sld [smem:$0x3F9C];
	s0 =	simm.s32 @p0 $0x1  }
0x13: {  	[smem:$0x3FB7] =	sst s0;
	s0 =	simm.s32 @!p1 $0x0  }
0x14: {  	s2 =	sld [smem:$0x3F9B];
	s0 =	simm.s32 @p1 $0x1  }
0x15: {  	[smem:$0x3FB8] =	sst s0;
	s0 =	simm.s32 @!p2 $0x0  }
0x16: {  	s3 =	sld [smem:$0x3FDB];
	s0 =	simm.s32 @p2 $0x1  }
0x17: {  	s4 =	simm.s32 $0x1BF5;
	[smem:$0x3FBA] =	sst s0  }
0x18: {  	s0 =	sld [smem:$0x3F9D];
	_ =	swait.ge [sflag:s4], $0x0  }
0x19: {  	s7 =	sld [smem:$0x3F9E]  }
0x1a: {  	s8 =	sadd.s32 $0xFFFFE003, lr  }
0x1b: {  	s9 =	sadd.s32 $0xFFFFFEF7, lr;
	s5 =	simm.s32 $0xFFFFFFFF;
	p2 =	slt.u32 s8, $0xFFFFF086  }
0x1c: {  	p1 =	slt.u32 s9, $0xF7A;
	s5 =	simm.s32 @!p2 $0x0  }
0x1d: {  	s5 =	simm.s32 @p1 $0x1;
	p0 =	seq.s32 s7, s2  }
0x1e: {  	s7 =	smul.u32 @!p0 $0xF7A, s2;
	p2 =	seq.s32 @!p0 s5, $0x0  }
0x1f: {  	s9 =	smul.u32 $0xF7A, s1;
	s8 =	simm.s32 @!p0 $0x1BF5;
	p2 =	por !p2, p0  }
0x20: {  	[sflag:s8] =	ssyncset.s32 @!p0 $0xFFFFF086;
	s6 =	sadd.s32 @!p0 s3, s7;
	s7 =	simm.s32 @!p0 $0x108  }
0x21: {  	s3 =	sadd.s32 s3, s9;
	s6 =	sadd.s32 @!p0 $0x88, s6;
	s7 =	simm.s32 @p2 $0x1082  }
0x22: {  	[simem:s7], [sflag:s8] =	dma.local @!p0 [hbm:s6], $0xF7A  }
0x23: {  	s9 =	sor.u32 $0xD0000000, s2;
	s6 =	simm.s32 $0x108;
	_ =	swait.ge @!p0 [sflag:s8], $0x0  }
0x24: {  	s3 =	sadd.s32 $0x88, s3;
	s6 =	simm.s32 @!p1 $0x1082;
	[sflag:s4] =	ssyncset.s32 $0xFFFFF086  }
0x25: {  	[simem:s6], [sflag:s4] =	dma.local [hbm:s3], $0xF7A  }
0x26: {  	[smem:$0x3F9E] =	sst s1;
	(tag) =	ssettag s2;
	_ =	strace s9  }
0x27: {  	s1 =	sld [smem:$0x3FAE]  }
0x28: {  	s2 =	sld [smem:$0x3FAF]  }
0x29: {  	s4 =	sld [smem:$0x3FB1]  }
0x2a: {  	p0 =	seq.s32 s5, $0x0;
	s5 =	sld [smem:$0x3FB2]  }
0x2b: {  	s6 =	sld [smem:$0x3FB3]  }
0x2c: {  	s7 =	sld [smem:$0x3FB4]  }
0x2d: {  	s3 =	simm.s32 $0x108;
	s8 =	sld [smem:$0x3FB5]  }
0x2e: {  	s3 =	simm.s32 @!p0 $0x1082;
	s9 =	sld [smem:$0x3FB6]  }
0x2f: {  	lr =	sadd.s32 s0, s3;
	s0 =	sld [smem:$0x3FAD]  }
0x30: {  	s3 =	sld [smem:$0x3FB0]  }
0x31: {  	[smem:$0x3FB9] =	sst s10  }
0x32: {  	s10 =	sld [smem:$0x3FB7];
	_ =	sdelay $0x3  }
0x33: {  	p0 =	seq.s32 s10, $0x1;
	s10 =	sld [smem:$0x3FB9];
	_ =	sdelay $0x3  }
0x34: {  	[smem:$0x3FB9] =	sst s10  }
0x35: {  	s10 =	sld [smem:$0x3FB8];
	_ =	sdelay $0x3  }
0x36: {  	p1 =	seq.s32 s10, $0x1;
	s10 =	sld [smem:$0x3FB9];
	_ =	sdelay $0x3  }
0x37: {  	[smem:$0x3FB9] =	sst s10  }
0x38: {  	s10 =	sld [smem:$0x3FBA]  }
0x39: {  	_ = 	snop;
	(pc) =	sbr.ind lr, $3  }
0x3a: {  	_ = 	snop  }
0x3b: {  	_ = 	snop  }
0x3c: {  	p2 =	seq.s32 s10, $0x1;
	s10 =	sld [smem:$0x3FB9]  }
0x3d: {  	_ =	shalt  }
0x3e: {  	_ =	shalt  }
0x3f: {  	_ =	shalt  }
0x40: {  	_ =	shalt  }
0x41: {  	_ =	shalt  }
0x42: {  	_ =	shalt  }
0x43: {  	_ =	shalt  }
0x44: {  	_ =	shalt  }
0x45: {  	_ =	shalt  }
0x46: {  	_ =	shalt  }
0x47: {  	_ =	shalt  }
0x48: {  	_ =	shalt  }
0x49: {  	_ =	shalt  }
0x4a: {  	_ =	shalt  }
0x4b: {  	_ =	shalt  }
0x4c: {  	_ =	shalt  }
0x4d: {  	_ =	shalt  }
0x4e: {  	_ =	shalt  }
0x4f: {  	_ =	shalt  }
0x50: {  	_ =	shalt  }
0x51: {  	_ =	shalt  }
0x52: {  	_ =	shalt  }
0x53: {  	_ =	shalt  }
0x54: {  	_ =	shalt  }
0x55: {  	_ =	shalt  }
0x56: {  	_ =	shalt  }
0x57: {  	_ =	shalt  }
0x58: {  	_ =	shalt  }
0x59: {  	_ =	shalt  }
0x5a: {  	_ =	shalt  }
0x5b: {  	_ =	shalt  }
0x5c: {  	_ =	shalt  }
0x5d: {  	_ =	shalt  }
0x5e: {  	_ =	shalt  }
0x5f: {  	_ =	shalt  }
0x60: {  	_ =	shalt  }
0x61: {  	_ =	shalt  }
0x62: {  	_ =	shalt  }
0x63: {  	_ =	shalt  }
0x64: {  	_ =	shalt  }
0x65: {  	_ =	shalt  }
0x66: {  	_ =	shalt  }
0x67: {  	_ =	shalt  }
0x68: {  	_ =	shalt  }
0x69: {  	_ =	shalt  }
0x6a: {  	_ =	shalt  }
0x6b: {  	_ =	shalt  }
0x6c: {  	_ =	shalt  }
0x6d: {  	_ =	shalt  }
0x6e: {  	_ =	shalt  }
0x6f: {  	_ =	shalt  }
0x70: {  	_ =	shalt  }
0x71: {  	_ =	shalt  }
0x72: {  	_ =	shalt  }
0x73: {  	_ =	shalt  }
0x74: {  	_ =	shalt  }
0x75: {  	_ =	shalt  }
0x76: {  	_ =	shalt  }
0x77: {  	_ =	shalt  }
0x78: {  	_ =	shalt  }
0x79: {  	_ =	shalt  }
0x7a: {  	_ =	shalt  }
0x7b: {  	_ =	shalt  }
0x7c: {  	_ =	shalt  }
0x7d: {  	_ =	shalt  }
0x7e: {  	_ =	shalt  }
0x7f: {  	_ =	shalt  }
0x80: {  	_ =	shalt  }
0x81: {  	_ =	shalt  }
0x82: {  	_ =	shalt  }
0x83: {  	_ =	shalt  }
0x84: {  	_ =	shalt  }
0x85: {  	_ =	shalt  }
0x86: {  	_ =	shalt  }
0x87: {  	_ =	shalt  }
.Lfunc_end0:
.L_simem_size_0:
called_computation.1_lowered:
.L_overlay_start_0:
0x88: {  	s2 =	sld [smem:$0x3FD9]  }
0x89: {  	s3 =	sld [smem:$0x3FFE];
	_ =	sdelay $0x1  }
0x8a: {  	s1 =	srdreg.scid  }
0x8b: {  	s0 =	sand.u32 $0x1, s1  }
0x8c: {  	s17 =	sshll.u32 s0, $0xA;
	s2 =	sadd.s32 s3, s2  }
0x8d: {  	s2 =	sadd.s32 s2, s17  }
0x8e: {  	[smem:$0x3FC5] =	sst s2  }
0x8f: {  	_ = 	snop  }
0x90: {  	s2 =	sld [smem:$0x3FD0];
	(tm) =	ssettm $0x1  }
0x91: {  	s18 =	sld [smem:$0x3FFB];
	_ =	sdelay $0x3  }
0x92: {  	_ =	strace s18  }
0x93: {  	s3 =	sld [smem:$0x3FFC];
	_ =	sdelay $0x3  }
0x94: {  	_ =	strace s3  }
0x95: {  	s3 =	sld [smem:$0x3FFD];
	_ =	sdelay $0x3  }
0x96: {  	_ =	strace s3  }
0x97: {  	_ =	strace $0x8FFFFFFF  }
0x98: {  	s19 =	sld [smem:$0x3FDB];
	_ =	sdelay $0x1  }
0x99: {  	s4 =	simm.s32 $_scs_section_size  }
0x9a: {  	s5 =	simm.s32 $_size__tile_overlayer_lowered;
	s6 =	simm.s32 $_tile_overlayer_lowered  }
0x9b: {  	s22 =	simm.s32 $0x1BFF;
	s21 =	sshll.u32 s6, $0x1;
	s3 =	sadd.s32 s4, s19  }
0x9c: {  	s7 =	simm.s32 $0x0;
	s20 =	sshll.u32 s5, $0x1;
	s5 =	sadd.s32 s21, s3  }
0x9d: {  	[timem:s7], [sflag:s22] =	dma.local [hbm:s5], s20  }
0x9e: {  	_ =	swait.ge [sflag:s22], s20  }
0x9f: {  	s4 =	ssub.s32 $0x0, s20;
	[sflag:s22] =	ssyncset.done $0x0  }
0xa0: {  	[sflag:s22] =	ssyncadd.s32 s4;
	_ =	sdelay $0x1  }
0xa1: {  	s23 =	simm.s32 $0x1B8B  }
0xa2: {  	_ =	swait.ge [sflag:s23], $0x1  }
0xa3: {  	[sflag:s23] =	ssyncset.done $0x0  }
0xa4: {  	s25 =	simm.s32 $0x1B8E;
	s24 =	sld [smem:$0x3FFE];
	[sflag:s23] =	ssyncadd.s32 $0xFFFFFFFF  }
0xa5: {  	s26 =	simm.s32 $execute0_lowered;
	[smem:$0x3FD2] =	sst s25  }
0xa6: {  	s5 =	sshll.u32 s26, $0x1;
	_ =	strace $0x80000049;
	[dreg:$0x1] =	wrdreg $0xFFFFFFFF  }
0xa7: {  	s28 =	simm.s32 $_size_execute0_lowered;
	s3 =	sadd.s32 s3, s5;
	[dreg:$0x0] =	wrdreg $0x0  }
0xa8: {  	s5 =	sshll.u32 s28, $0x1;
	[dreg:$0x2] =	wrdreg s3  }
0xa9: {  	[dreg:$0x3] =	wrdreg s5  }
0xaa: {  	[dreg:$0x4] =	wrdreg $0xC0  }
0xab: {  	_ =	task [dreg:s7], $0x5FFFF  }
0xac: {  	[dreg:$0x1] =	wrdreg $0xFFFFFFFF  }
0xad: {  	[dreg:$0x0] =	wrdreg $0x60  }
0xae: {  	[dreg:$0x2] =	wrdreg s2  }
0xaf: {  	[dreg:$0x3] =	wrdreg s24  }
0xb0: {  	[dreg:$0x4] =	wrdreg $0x9  }
0xb1: {  	_ =	task.clear_ibuf [dreg:s7], $0x5FFFF;
	_ =	strace $0x90000049  }
0xb2: {  	s29 =	simm.s32 $0x9;
	_ =	strace $0x8000004B  }
0xb3: {  	_ =	swait.ge [sflag:s29], $0x1  }
0xb4: {  	[sflag:s29] =	ssyncadd.s32 $0xFFFFFFFF  }
0xb5: {  	_ =	strace $0x9000004B  }
0xb6: {  	_ =	sfence  }
0xb7: {  	s30 =	sld [smem:$0x0];
	_ =	sdelay $0x2  }
0xb8: {  	s31 =	sshll.u32 s1, $0xD;
	s1 =	sshrl.u32 s1, $0x2  }
0xb9: {  	s3 =	sand.u32 $0x4000, s31;
	s1 =	sadd.s32 s1, s30  }
0xba: {  	s0 =	sor.u32 s3, s0;
	s1 =	sshll.u32 s1, $0x11  }
0xbb: {  	s0 =	sor.u32 s1, s0  }
0xbc: {  	s0 =	sadd.s32 $0x8F2B, s0  }
0xbd: {  	[sflag:s0] =	ssyncadd.remote.s32 $0x1  }
0xbe: {  	_ =	sfence.sel $0xFFFF  }
0xbf: {  	[dreg:$0x0] =	wrdreg $0xFFFFFFFF;
	(pc) =	sbr.abs _section_cstart, $3  }
0xc0: {  	[dreg:$0x1] =	wrdreg $0xFFFFFFFF  }
0xc1: {  	_ =	task.clear_ibuf [dreg:s7], $0x2FFFF;
	_ =	strace $0x9FFFFFFF  }
0xc2: {  	(tm) =	ssettm $0x7FFFFFFF  }
0xc3: {  	_ =	shalt  }
tec
execute0_lowered:
.L_overlay_start_1:
0x0: {  	(tag) =	ssettag $0x1  }
0x1: {  	s1 =	stileid.u32  }
0x2: {  	p0 =	sgt.u32 s1, $0x7  }
.Ltmp0:
0x3: {  	_ = 	snop;
	(pc) =	sbr.rel @p0 .LBB2_4-.Ltmp0, $4  }
0x4: {  	s2 =	rddreg [dreg:$0x0]  }
0x5: {  	s8 =	rddreg [dreg:$0x1];
	s3 =	simm.s32 $0x0  }
0x6: {  	[smem:$0x7FF] =	sst s3  }
0x7: {  	s0 =	rddreg [dreg:$0x2];
	_ =	strace $0x8000004A  }
0x8: {  	s4 =	srdreg.scid  }
0x9: {  	[tilespmem:s3], [sflag:$0x1] =	stream.linear.gather [hbm4b:s2+s3], $0x800, $0x38;
	[tilespmem:$0xC00] =	vst v63  }
0xa: {  	s7 =	sand.u32 $0x1, s4  }
0xb: {  	s5 =	sshll.u32 s1, $0x8;
	s4 =	simm.s32 $0x1;
	s6 =	sshll.u32 s7, $0x7  }
0xc: {  	_ =	swait.ge [sflag:s4], $0x800;
	s9 =	ssub.s32 $0x2, s7;
	s7 =	simm.s32 $0x800  }
0xd: {  	s5 =	sor.u32 s6, s5;
	[sflag:s4] =	ssyncset.done $0x0;
	s10 =	sshrl.u32 s9, $0x1  }
0xe: {  	s6 =	sadd.s32 s8, s5;
	[sflag:s4] =	ssyncadd.s32 $0xFFFFF800;
	s9 =	ssub.s32 s9, s10  }
0xf: {  	[tilespmem:s7], [sflag:$0x1] =	stream.linear.gather [hbm4b:s6+s3], $0x400, $0x38;
	[tilespmem:$0xC00] =	vst v63  }
0x10: {  	s10 =	smax.u32 s9, $0x1  }
0x11: {  	_ =	swait.ge [sflag:s4], $0x400;
	p0 =	sne.s32 s10, $0x1  }
.Ltmp1:
0x12: {  	[sflag:s4] =	ssyncset.done $0x0;
	(pc) =	sbr.rel @!p0 .LBB2_3-.Ltmp1, $4  }
0x13: {  	s8 =	sadd.s32 $0x800, s8;
	s9 =	simm.s32 $0x80;
	[sflag:s4] =	ssyncadd.s32 $0xFFFFFC00  }
0x14: {  	[hbm4b:s8+s9] =	stream.indirect.scatter [tilespmem:s7], [sflag:$0x1], $0x8, s5, s9, $0xb8;
	[tilespmem:$0xC00] =	vst v63  }
0x15: {  	_ =	swait.ge [sflag:s4], $0x400  }
0x16: {  	s10 =	sadd.s32 $0xFFFFFFFF, s10;
	[sflag:s4] =	ssyncset.done $0x0  }
.LBB2_2:
0x17: {  	p0 =	sne.s32 s10, $0x1;
	s10 =	sadd.s32 $0xFFFFFFFF, s10;
	[sflag:s4] =	ssyncadd.s32 $0xFFFFFC00  }
0x18: {  	[tilespmem:s3], [sflag:$0x1] =	stream.linear.gather [hbm4b:s2+s3], $0x800, $0x38;
	[tilespmem:$0xC00] =	vst v63  }
0x19: {  	_ =	swait.ge [sflag:s4], $0x800  }
0x1a: {  	[sflag:s4] =	ssyncset.done $0x0  }
0x1b: {  	[sflag:s4] =	ssyncadd.s32 $0xFFFFF800  }
0x1c: {  	[tilespmem:s7], [sflag:$0x1] =	stream.linear.gather [hbm4b:s6+s3], $0x400, $0x38;
	[tilespmem:$0xC00] =	vst v63  }
0x1d: {  	_ =	swait.ge [sflag:s4], $0x400  }
.Ltmp2:
0x1e: {  	[sflag:s4] =	ssyncset.done $0x0;
	(pc) =	sbr.rel @p0 .LBB2_2-.Ltmp2, $4  }
0x1f: {  	[sflag:s4] =	ssyncadd.s32 $0xFFFFFC00  }
0x20: {  	[hbm4b:s8+s9] =	stream.indirect.scatter [tilespmem:s7], [sflag:$0x1], $0x8, s5, s9, $0xb8;
	[tilespmem:$0xC00] =	vst v63  }
0x21: {  	_ =	swait.ge [sflag:s4], $0x400  }
0x22: {  	[sflag:s4] =	ssyncset.done $0x0  }
.LBB2_3:
0x23: {  	[sflag:s4] =	ssyncadd.s32 $0xFFFFFC00  }
.LBB2_4:
0x24: {  	_ =	sfence.sel $0x180000  }
0x25: {  	[bflag:$0x0] =	sbarrier.arrive $0xFFFF  }
0x26: {  	p0 =	sne.s32 s1, $0x0;
	_ =	strace $0x9000004A  }
0x27: {  	s0 =	sadd.s32 @!p0 $0x100000, s0;
	[bflag:$0x2] =	sbarrier.arrive $0xFFFF  }
0x28: {  	[sflag:s0] =	ssyncadd.tile.s32 @!p0 $0x1;
	_ =	shalt  }
.Lfunc_end2:
_tile_overlayer_lowered:
.L_overlay_start_2:
0x29: {  	(tag) =	ssettag $0x2  }
0x2a: {  	s0 =	rddreg [dreg:$0x0];
	s2 =	stileid.u32  }
0x2b: {  	s1 =	rddreg [dreg:$0x1];
	p0 =	sne.s32 s2, $0x0  }
0x2c: {  	s3 =	rddreg [dreg:$0x2];
	[bflag:$0x3] =	sbarrier.arrive $0xFFFF;
	s2 =	simm.s32 @!p0 $0x1C01  }
0x2d: {  	[timem:s3], [sflag:s2] =	dma.local @!p0 [hbm:s0], s1  }
0x2e: {  	s0 =	simm.s32 @!p0 $0x1  }
0x2f: {  	_ =	swait.ge @!p0 [sflag:s0], s1  }
0x30: {  	s1 =	ssub.s32 @!p0 $0x0, s1;
	[sflag:s0] =	ssyncset.done @!p0 $0x0  }
0x31: {  	[sflag:s0] =	ssyncadd.s32 @!p0 s1  }
0x32: {  	[bflag:$0x3] =	sbarrier.arrive $0xFFFF  }
0x33: {  	_ =	shalt  }

</sc_bundles>
